<compile_context>
chip_gen: v7x
topology: tpu7x:2x2x1
jax: 0.10.2.dev20260603
libtpu: 0.0.44.dev20260713+nightly
codegen_flags: <defaults>
</compile_context>

<pallas_src>
import functools

import jax
import jax.numpy as jnp
from jax import lax
from jax.experimental import pallas as pl
from jax.experimental.pallas import tpu as pltpu
from jax.experimental.pallas import tpu_sc as plsc

N = 10000
E = 320000
NP = 10240
NC, NS = 2, 16
NW = NC * NS
NCH, CH = 128, 80
EPT = NCH * CH
E_PAD = NW * EPT
RPS = NP // NS

_MESH = plsc.VectorSubcoreMesh(
    core_axis_name="c", subcore_axis_name="s", num_cores=NC, num_subcores=NS
)



def _deg_body(dst_hbm, ones_hbm, z1_hbm, degp_hbm, dst_v, ones_v, acc, sem):
    c = lax.axis_index("c")
    s = lax.axis_index("s")
    wid = s * NC + c
    r0 = s * RPS
    pltpu.sync_copy(z1_hbm.at[pl.ds(r0, RPS)], acc.at[pl.ds(r0, RPS)])
    pltpu.sync_copy(dst_hbm.at[wid], dst_v)
    pltpu.sync_copy(ones_hbm, ones_v)
    plsc.subcore_barrier()

    def fire(j, carry):
        pltpu.async_copy(ones_v, acc.at[dst_v.at[j]], sem, add=True)
        return carry

    def drain(j, carry):
        pltpu.make_async_copy(ones_v, acc.at[dst_v.at[0]], sem).wait()
        return carry

    lax.fori_loop(0, NCH, fire, 0)
    lax.fori_loop(0, NCH, drain, 0)
    plsc.subcore_barrier()
    pltpu.sync_copy(acc.at[pl.ds(r0, RPS)], degp_hbm.at[c, pl.ds(r0, RPS)])


_deg_kernel = functools.partial(
    pl.kernel,
    _deg_body,
    out_type=jax.ShapeDtypeStruct((NC, NP), jnp.float32),
    mesh=_MESH,
    scratch_types=[
        pltpu.VMEM((NCH, CH), jnp.int32),
        pltpu.VMEM((CH,), jnp.float32),
        pltpu.VMEM_SHARED((NP,), jnp.float32),
        pltpu.SemaphoreType.DMA,
    ],
)()


def _make_agg(tail, dtype, num_tables):

    def body(*refs):
        tables = refs[:num_tables]
        edges_hbm, z_hbm = refs[num_tables:num_tables + 2]
        outs = refs[num_tables + 2:2 * num_tables + 2]
        scr = refs[2 * num_tables + 2:]
        idxs, rows, isems, gsems, ssems, acc = \
            scr[0:4], scr[4:8], scr[8:12], scr[12:16], scr[16:20], scr[20]

        c = lax.axis_index("c")
        s = lax.axis_index("s")
        wid = s * NC + c
        r0 = s * RPS

        def idx_fetch(j, b):
            pltpu.async_copy(edges_hbm.at[wid, j], idxs[b], isems[b])

        for h in range(num_tables):
            table = tables[h]

            def gather(j, b, table=table):
                pltpu.make_async_copy(edges_hbm.at[wid, j], idxs[b],
                                      isems[b]).wait()
                pltpu.async_copy(table.at[idxs[b].at[0]], rows[b], gsems[b])

            def scatter_wait(b):
                pltpu.make_async_copy(rows[b], acc.at[idxs[b].at[1]],
                                      ssems[b]).wait()

            pltpu.sync_copy(z_hbm.at[pl.ds(r0, RPS)], acc.at[pl.ds(r0, RPS)])
            idx_fetch(0, 0)
            idx_fetch(1, 1)
            gather(0, 0)
            plsc.subcore_barrier()

            def group(g, carry, gather=gather, scatter_wait=scatter_wait,
                      table=table):
                for b in range(4):
                    j = g * 4 + b

                    @pl.when(j >= 2)
                    def _():
                        scatter_wait((b + 2) % 4)

                    @pl.when(j + 2 < NCH)
                    def _():
                        idx_fetch(j + 2, (b + 2) % 4)

                    @pl.when(j + 1 < NCH)
                    def _():
                        gather(j + 1, (b + 1) % 4)

                    pltpu.make_async_copy(table.at[idxs[b].at[0]], rows[b],
                                          gsems[b]).wait()
                    pltpu.async_copy(rows[b], acc.at[idxs[b].at[1]], ssems[b],
                                     add=True)
                return carry

            lax.fori_loop(0, NCH // 4, group, 0)
            scatter_wait((NCH - 2) % 4)
            scatter_wait((NCH - 1) % 4)
            plsc.subcore_barrier()
            pltpu.sync_copy(acc.at[pl.ds(r0, RPS)],
                            outs[h].at[c, pl.ds(r0, RPS)])
            if h + 1 < num_tables:
                plsc.subcore_barrier()

    return functools.partial(
        pl.kernel,
        body,
        out_type=[jax.ShapeDtypeStruct((NC, NP) + tail, dtype)] * num_tables,
        mesh=_MESH,
        scratch_types=[
            *[pltpu.VMEM((2, CH), jnp.int32)] * 4,
            *[pltpu.VMEM((CH,) + tail, dtype)] * 4,
            *[pltpu.SemaphoreType.DMA] * 12,
            pltpu.VMEM_SHARED((NP,) + tail, dtype),
        ],
    )()


_agg_one = _make_agg((128,), jnp.float32, 1)

NCH1 = NCH * NC


def _agg_l1_body(tables_hbm, edges_hbm, z_hbm, out, *scr):
    idxs, rows, isems, gsems, ssems, acc = \
        scr[0:4], scr[4:8], scr[8:12], scr[12:16], scr[16:20], scr[20]

    c = lax.axis_index("c")
    s = lax.axis_index("s")
    r0 = s * RPS
    table = tables_hbm.at[c]

    def idx_fetch(j, b):
        pltpu.async_copy(edges_hbm.at[s, j], idxs[b], isems[b])

    def gather(j, b):
        pltpu.make_async_copy(edges_hbm.at[s, j], idxs[b], isems[b]).wait()
        pltpu.async_copy(table.at[idxs[b].at[0]], rows[b], gsems[b])

    def scatter_wait(b):
        pltpu.make_async_copy(rows[b], acc.at[idxs[b].at[1]], ssems[b]).wait()

    pltpu.sync_copy(z_hbm.at[pl.ds(r0, RPS)], acc.at[pl.ds(r0, RPS)])
    idx_fetch(0, 0)
    idx_fetch(1, 1)
    gather(0, 0)
    plsc.subcore_barrier()

    def group(g, carry):
        for b in range(4):
            j = g * 4 + b

            @pl.when(j >= 2)
            def _():
                scatter_wait((b + 2) % 4)

            @pl.when(j + 2 < NCH1)
            def _():
                idx_fetch(j + 2, (b + 2) % 4)

            @pl.when(j + 1 < NCH1)
            def _():
                gather(j + 1, (b + 1) % 4)

            pltpu.make_async_copy(table.at[idxs[b].at[0]], rows[b],
                                  gsems[b]).wait()
            pltpu.async_copy(rows[b], acc.at[idxs[b].at[1]], ssems[b],
                             add=True)
        return carry

    lax.fori_loop(0, NCH1 // 4, group, 0)
    scatter_wait((NCH1 - 2) % 4)
    scatter_wait((NCH1 - 1) % 4)
    plsc.subcore_barrier()
    pltpu.sync_copy(acc.at[pl.ds(r0, RPS)], out.at[c, pl.ds(r0, RPS)])


_agg_l1 = functools.partial(
    pl.kernel,
    _agg_l1_body,
    out_type=jax.ShapeDtypeStruct((NC, NP, 128), jnp.float32),
    mesh=_MESH,
    scratch_types=[
        *[pltpu.VMEM((2, CH), jnp.int32)] * 4,
        *[pltpu.VMEM((CH, 128), jnp.float32)] * 4,
        *[pltpu.SemaphoreType.DMA] * 12,
        pltpu.VMEM_SHARED((NP, 128), jnp.float32),
    ],
)()




_BM = 1280
_GRID = NP // _BM


def _mm1_body(x_ref, w_ref, o_ref):
    o_ref[...] = jnp.dot(x_ref[...], w_ref[...],
                         preferred_element_type=jnp.float32)


def _dinv(d0_ref, d1_ref):
    deg = d0_ref[...] + d1_ref[...] + 1.0
    return lax.rsqrt(jnp.maximum(deg, 1.0))


def _scale_body(t1_ref, d0_ref, d1_ref, s_ref):
    dinv = _dinv(d0_ref, d1_ref)
    s_ref[0] = t1_ref[:, :128] * dinv
    s_ref[1] = t1_ref[:, 128:] * dinv


def _layer2_body(p1_ref, s1_ref, d0_ref, d1_ref, b1_ref,
                 w2_ref, o_ref):
    dinv = _dinv(d0_ref, d1_ref)
    ha = jax.nn.relu(dinv * (p1_ref[0] + s1_ref[0]) + b1_ref[0:1, :128])
    hb = jax.nn.relu(dinv * (p1_ref[1] + s1_ref[1]) + b1_ref[0:1, 128:])
    t2 = (jnp.dot(ha, w2_ref[:128, :], preferred_element_type=jnp.float32)
          + jnp.dot(hb, w2_ref[128:, :], preferred_element_type=jnp.float32))
    o_ref[...] = t2 * dinv


def _final_body(p_ref, s_ref, d0_ref, d1_ref, b2_ref, o_ref):
    agg = p_ref[0] + p_ref[1] + s_ref[...]
    o_ref[...] = _dinv(d0_ref, d1_ref) * agg + b2_ref[0:1, :]


def _row_spec(cols):
    return pl.BlockSpec((_BM, cols), lambda m: (m, 0))


def _whole_spec(shape):
    return pl.BlockSpec(shape, lambda m: tuple(0 for _ in shape))


def _part_spec(cols):
    return pl.BlockSpec((NC, _BM, cols), lambda m: (0, m, 0))



def kernel(x, edge_index, W1, b1, W2, b2):
    pad = (jnp.arange(E_PAD - E, dtype=jnp.int32) % (NP - N)) + N
    src_p = jnp.concatenate([edge_index[0], pad]).reshape(NW, NCH, CH)
    dst_p = jnp.concatenate([edge_index[1], pad]).reshape(NW, NCH, CH)
    edges = jnp.stack([src_p, dst_p], axis=2)
    ones_ch = jnp.ones((CH,), jnp.float32)
    z1 = jnp.zeros((NP,), jnp.float32)
    z2 = jnp.zeros((NP, 128), jnp.float32)
    x_pad = jnp.pad(x, ((0, NP - N), (0, 0)))

    degp = _deg_kernel(dst_p, ones_ch, z1)

    t1 = pl.pallas_call(
        _mm1_body,
        grid=(_GRID,),
        in_specs=[_row_spec(128), _whole_spec((128, 256))],
        out_specs=_row_spec(256),
        out_shape=jax.ShapeDtypeStruct((NP, 256), jnp.float32),
    )(x_pad, W1)

    d0 = degp[0].reshape(NP, 1)
    d1 = degp[1].reshape(NP, 1)

    s1 = pl.pallas_call(
        _scale_body,
        grid=(_GRID,),
        in_specs=[_row_spec(256), _row_spec(1), _row_spec(1)],
        out_specs=_part_spec(128),
        out_shape=jax.ShapeDtypeStruct((2, NP, 128), jnp.float32),
    )(t1, d0, d1)

    p1 = _agg_l1(s1, edges.reshape(NS, NCH1, 2, CH), z2)

    s2 = pl.pallas_call(
        _layer2_body,
        grid=(_GRID,),
        in_specs=[_part_spec(128), _part_spec(128), _row_spec(1), _row_spec(1),
                  _whole_spec((1, 256)), _whole_spec((256, 128))],
        out_specs=_row_spec(128),
        out_shape=jax.ShapeDtypeStruct((NP, 128), jnp.float32),
    )(p1, s1, d0, d1, b1.reshape(1, 256), W2)

    (p2,) = _agg_one(s2, edges, z2)

    out = pl.pallas_call(
        _final_body,
        grid=(_GRID,),
        in_specs=[_part_spec(128), _row_spec(128), _row_spec(1), _row_spec(1),
                  _whole_spec((1, 128))],
        out_specs=_row_spec(128),
        out_shape=jax.ShapeDtypeStruct((NP, 128), jnp.float32),
    )(p2, s2, d0, d1, b2.reshape(1, 128))

    return out[:N]

# --- scband reference (transcript-rebuilt; emitter-appended) ---
"""Pipeline reference for scband-gcn-5342939316779 (READ-ONLY COPY).

The authoritative reference and input builder live on the scoring server;
editing this copy changes nothing except your own understanding.
"""

import jax, jax.numpy as jnp
import numpy as np

N = 10000
E = 320000
D_IN = 128
D_HID = 256
D_OUT = 128


def setup_inputs(seed: int = 0) -> dict:
    key = jax.random.key(seed)
    k1, k2, k3, k4 = jax.random.split(key, 4)
    x = jax.random.normal(k1, (N, D_IN), dtype=jnp.float32)
    edge_index = jax.random.randint(k2, (2, E), 0, N, dtype=jnp.int32)
    # Glorot-style init for GCN layer weights, zero bias (matches PyG GCNConv defaults)
    W1 = jax.random.normal(k3, (D_IN, D_HID), dtype=jnp.float32) * (1.0 / np.sqrt(D_IN))
    b1 = jnp.zeros((D_HID,), dtype=jnp.float32)
    W2 = jax.random.normal(k4, (D_HID, D_OUT), dtype=jnp.float32) * (1.0 / np.sqrt(D_HID))
    b2 = jnp.zeros((D_OUT,), dtype=jnp.float32)
    return {"x": x, "edge_index": edge_index, "W1": W1, "b1": b1, "W2": W2, "b2": b2}


def _gcn_conv(x, edge_index, W, b):
    # GCNConv: add self-loops, symmetric normalization D^-1/2 A D^-1/2, linear transform, scatter-add
    n = x.shape[0]
    loop = jnp.arange(n, dtype=edge_index.dtype)
    src = jnp.concatenate([edge_index[0], loop])
    dst = jnp.concatenate([edge_index[1], loop])
    ones = jnp.ones(src.shape[0], dtype=x.dtype)
    deg = jax.ops.segment_sum(ones, dst, num_segments=n)
    dinv = jax.lax.rsqrt(jnp.maximum(deg, 1.0))
    norm = dinv[src] * dinv[dst]
    h = x @ W
    msg = jnp.take(h, src, axis=0) * norm[:, None]
    out = jax.ops.segment_sum(msg, dst, num_segments=n)
    return out + b


def reference(x, edge_index, W1, b1, W2, b2):
    # eval-mode forward: dropout is identity
    h = jax.nn.relu(_gcn_conv(x, edge_index, W1, b1))
    return _gcn_conv(h, edge_index, W2, b2)

if __name__ == "__main__":
    import jax
    _d = setup_inputs()
    print(jax.jit(kernel)(*tuple(_d.values())))

</pallas_src>

<mosaic_0001>
#map = affine_map<(d0, d1) -> (0, 0, 0)>
#map1 = affine_map<(d0, d1) -> (0)>
#map2 = affine_map<(d0, d1) -> (0, 0)>
module attributes {stable_mosaic.version = 14 : i64} {
  func.func @_deg_body(%arg0: i32, %arg1: i32, %arg2: memref<32x128x80xi32, #tpu.memory_space<hbm>>, %arg3: memref<80xf32, #tpu.memory_space<hbm>>, %arg4: memref<10240xf32, #tpu.memory_space<hbm>>, %arg5: memref<2x10240xf32, #tpu.memory_space<hbm>>, %arg6: memref<128x80xi32, #tpu.memory_space<vmem>>, %arg7: memref<80xf32, #tpu.memory_space<vmem>>, %arg8: memref<10240xf32, #tpu.memory_space<vmem_shared>>, %arg9: memref<!tpu.dma_semaphore, #tpu.memory_space<semaphore_mem>>) attributes {dimension_semantics = [#tpu.dimension_semantics<core_parallel>, #tpu.dimension_semantics<subcore_parallel>], iteration_bounds = array<i64: 2, 16>, scalar_prefetch = 0 : i64, scratch_operands = 4 : i64, tpu.core_type = #tpu.core_type<sc_vector_subcore>, window_params = [{transform_indices = #map}, {transform_indices = #map1}, {transform_indices = #map1}, {transform_indices = #map2}]} {
    %mul3A = arith.constant 2 : i32
    %mul3A_0 = arith.muli %arg1, %mul3A : i32
    %add3A = arith.addi %mul3A_0, %arg0 : i32
    %mul3A_1 = arith.constant 640 : i32
    %mul3A_2 = arith.muli %arg1, %mul3A_1 : i32
    "tpu.region"() ({
      %run_scoped3A = tpu.sem_alloc : memref<!tpu.dma_semaphore, #tpu.memory_space<semaphore_mem>>
      %dma_start3A = tpu.memref_slice %arg8[%mul3A_2] : memref<10240xf32, #tpu.memory_space<vmem_shared>> -> memref<640xf32, #tpu.memory_space<vmem_shared>>
      %dma_start3A_15 = tpu.memref_slice %arg4[%mul3A_2] : memref<10240xf32, #tpu.memory_space<hbm>> -> memref<640xf32, #tpu.memory_space<hbm>>
      tpu.enqueue_dma source(%dma_start3A_15 : memref<640xf32, #tpu.memory_space<hbm>>) target(%dma_start3A : memref<640xf32, #tpu.memory_space<vmem_shared>>) target_semaphore(%run_scoped3A : memref<!tpu.dma_semaphore, #tpu.memory_space<semaphore_mem>>)
      %dma_wait3A = tpu.memref_slice %arg8[%mul3A_2] : memref<10240xf32, #tpu.memory_space<vmem_shared>> -> memref<640xf32, #tpu.memory_space<vmem_shared>>
      %dma_wait3A_16 = tpu.memref_slice %arg4[%mul3A_2] : memref<10240xf32, #tpu.memory_space<hbm>> -> memref<640xf32, #tpu.memory_space<hbm>>
      tpu.wait_dma2 semaphore(%run_scoped3A : memref<!tpu.dma_semaphore, #tpu.memory_space<semaphore_mem>>) src(%dma_wait3A_16 : memref<640xf32, #tpu.memory_space<hbm>>) dst(%dma_wait3A : memref<640xf32, #tpu.memory_space<vmem_shared>>)
      tpu.yield
    }) : () -> ()
    "tpu.region"() ({
      %run_scoped3A = tpu.sem_alloc : memref<!tpu.dma_semaphore, #tpu.memory_space<semaphore_mem>>
      %dma_start3A = arith.constant 0 : i32
      %dma_start3A_15 = arith.constant 0 : i32
      %dma_start3A_16 = tpu.memref_slice %arg2[%add3A, %dma_start3A, %dma_start3A_15] : memref<32x128x80xi32, #tpu.memory_space<hbm>> -> memref<1x128x80xi32, #tpu.memory_space<hbm>>
      %dma_start3A_17 = tpu.memref_squeeze %dma_start3A_16 : memref<1x128x80xi32, #tpu.memory_space<hbm>> -> memref<128x80xi32, #tpu.memory_space<hbm>>
      %dma_start3A_18 = arith.constant 0 : i32
      %dma_start3A_19 = arith.constant 0 : i32
      %dma_start3A_20 = tpu.memref_slice %arg2[%add3A, %dma_start3A_18, %dma_start3A_19] : memref<32x128x80xi32, #tpu.memory_space<hbm>> -> memref<1x128x80xi32, #tpu.memory_space<hbm>>
      %dma_start3A_21 = tpu.memref_squeeze %dma_start3A_20 : memref<1x128x80xi32, #tpu.memory_space<hbm>> -> memref<128x80xi32, #tpu.memory_space<hbm>>
      tpu.enqueue_dma source(%dma_start3A_21 : memref<128x80xi32, #tpu.memory_space<hbm>>) target(%arg6 : memref<128x80xi32, #tpu.memory_space<vmem>>) target_semaphore(%run_scoped3A : memref<!tpu.dma_semaphore, #tpu.memory_space<semaphore_mem>>)
      %dma_wait3A = arith.constant 0 : i32
      %dma_wait3A_22 = arith.constant 0 : i32
      %dma_wait3A_23 = tpu.memref_slice %arg2[%add3A, %dma_wait3A, %dma_wait3A_22] : memref<32x128x80xi32, #tpu.memory_space<hbm>> -> memref<1x128x80xi32, #tpu.memory_space<hbm>>
      %dma_wait3A_24 = tpu.memref_squeeze %dma_wait3A_23 : memref<1x128x80xi32, #tpu.memory_space<hbm>> -> memref<128x80xi32, #tpu.memory_space<hbm>>
      %dma_wait3A_25 = arith.constant 0 : i32
      %dma_wait3A_26 = arith.constant 0 : i32
      %dma_wait3A_27 = tpu.memref_slice %arg2[%add3A, %dma_wait3A_25, %dma_wait3A_26] : memref<32x128x80xi32, #tpu.memory_space<hbm>> -> memref<1x128x80xi32, #tpu.memory_space<hbm>>
      %dma_wait3A_28 = tpu.memref_squeeze %dma_wait3A_27 : memref<1x128x80xi32, #tpu.memory_space<hbm>> -> memref<128x80xi32, #tpu.memory_space<hbm>>
      tpu.wait_dma2 semaphore(%run_scoped3A : memref<!tpu.dma_semaphore, #tpu.memory_space<semaphore_mem>>) src(%dma_wait3A_28 : memref<128x80xi32, #tpu.memory_space<hbm>>) dst(%arg6 : memref<128x80xi32, #tpu.memory_space<vmem>>)
      tpu.yield
    }) : () -> ()
    "tpu.region"() ({
      %run_scoped3A = tpu.sem_alloc : memref<!tpu.dma_semaphore, #tpu.memory_space<semaphore_mem>>
      tpu.enqueue_dma source(%arg3 : memref<80xf32, #tpu.memory_space<hbm>>) target(%arg7 : memref<80xf32, #tpu.memory_space<vmem>>) target_semaphore(%run_scoped3A : memref<!tpu.dma_semaphore, #tpu.memory_space<semaphore_mem>>)
      tpu.wait_dma2 semaphore(%run_scoped3A : memref<!tpu.dma_semaphore, #tpu.memory_space<semaphore_mem>>) src(%arg3 : memref<80xf32, #tpu.memory_space<hbm>>) dst(%arg7 : memref<80xf32, #tpu.memory_space<vmem>>)
      tpu.yield
    }) : () -> ()
    %barrier3A = arith.constant 0 : index
    tpu.barrier barrier_id(%barrier3A)
    %scan3A = arith.constant 0 : i32
    %scan3A_3 = arith.constant 0 : i32
    %scan3A_4 = arith.constant 128 : i32
    %scan3A_5 = arith.addi %scan3A_3, %scan3A_4 : i32
    %scan3A_6 = arith.constant 1 : i32
    scf.for %scan3A_15 = %scan3A_3 to %scan3A_5 step %scan3A_6  : i32 {
      %dma_start3A = arith.constant 0 : i32
      %dma_start3A_16 = tpu.memref_slice %arg6[%scan3A_15, %dma_start3A] : memref<128x80xi32, #tpu.memory_space<vmem>> -> memref<1x80xi32, #tpu.memory_space<vmem>>
      %dma_start3A_17 = tpu.memref_squeeze %dma_start3A_16 : memref<1x80xi32, #tpu.memory_space<vmem>> -> memref<80xi32, #tpu.memory_space<vmem>>
      %dma_start3A_18 = arith.constant 0 : i32
      %dma_start3A_19 = tpu.memref_slice %arg8[%dma_start3A_18] : memref<10240xf32, #tpu.memory_space<vmem_shared>> -> memref<10240xf32, #tpu.memory_space<vmem_shared>>
      tpu.enqueue_indirect_dma source(%arg7 : memref<80xf32, #tpu.memory_space<vmem>>) target(%dma_start3A_19 : memref<10240xf32, #tpu.memory_space<vmem_shared>>) offsets(%dma_start3A_17 : memref<80xi32, #tpu.memory_space<vmem>>) semaphore(%arg9 : memref<!tpu.dma_semaphore, #tpu.memory_space<semaphore_mem>>) {add = true}
    }
    %scan3A_7 = arith.constant 128 : i32
    %scan3A_8 = arith.constant 0 : i32
    %scan3A_9 = arith.constant 0 : i32
    %scan3A_10 = arith.constant 128 : i32
    %scan3A_11 = arith.addi %scan3A_9, %scan3A_10 : i32
    %scan3A_12 = arith.constant 1 : i32
    scf.for %scan3A_15 = %scan3A_9 to %scan3A_11 step %scan3A_12  : i32 {
      %dma_wait3A = arith.constant 0 : i32
      %dma_wait3A_16 = arith.constant 0 : i32
      %dma_wait3A_17 = tpu.memref_slice %arg6[%dma_wait3A, %dma_wait3A_16] : memref<128x80xi32, #tpu.memory_space<vmem>> -> memref<1x80xi32, #tpu.memory_space<vmem>>
      %dma_wait3A_18 = tpu.memref_squeeze %dma_wait3A_17 : memref<1x80xi32, #tpu.memory_space<vmem>> -> memref<80xi32, #tpu.memory_space<vmem>>
      %dma_wait3A_19 = arith.constant 0 : i32
      %dma_wait3A_20 = tpu.memref_slice %arg8[%dma_wait3A_19] : memref<10240xf32, #tpu.memory_space<vmem_shared>> -> memref<10240xf32, #tpu.memory_space<vmem_shared>>
      tpu.wait_indirect_dma semaphore(%arg9 : memref<!tpu.dma_semaphore, #tpu.memory_space<semaphore_mem>>) src(%arg7 : memref<80xf32, #tpu.memory_space<vmem>>) dst(%dma_wait3A_20 : memref<10240xf32, #tpu.memory_space<vmem_shared>>)
    }
    %scan3A_13 = arith.constant 128 : i32
    %barrier3A_14 = arith.constant 0 : index
    tpu.barrier barrier_id(%barrier3A_14)
    "tpu.region"() ({
      %run_scoped3A = tpu.sem_alloc : memref<!tpu.dma_semaphore, #tpu.memory_space<semaphore_mem>>
      %dma_start3A = tpu.memref_slice %arg5[%arg0, %mul3A_2] : memref<2x10240xf32, #tpu.memory_space<hbm>> -> memref<1x640xf32, #tpu.memory_space<hbm>>
      %dma_start3A_15 = tpu.memref_squeeze %dma_start3A : memref<1x640xf32, #tpu.memory_space<hbm>> -> memref<640xf32, #tpu.memory_space<hbm>>
      %dma_start3A_16 = tpu.memref_slice %arg8[%mul3A_2] : memref<10240xf32, #tpu.memory_space<vmem_shared>> -> memref<640xf32, #tpu.memory_space<vmem_shared>>
      tpu.enqueue_dma source(%dma_start3A_16 : memref<640xf32, #tpu.memory_space<vmem_shared>>) target(%dma_start3A_15 : memref<640xf32, #tpu.memory_space<hbm>>) target_semaphore(%run_scoped3A : memref<!tpu.dma_semaphore, #tpu.memory_space<semaphore_mem>>)
      %dma_wait3A = tpu.memref_slice %arg5[%arg0, %mul3A_2] : memref<2x10240xf32, #tpu.memory_space<hbm>> -> memref<1x640xf32, #tpu.memory_space<hbm>>
      %dma_wait3A_17 = tpu.memref_squeeze %dma_wait3A : memref<1x640xf32, #tpu.memory_space<hbm>> -> memref<640xf32, #tpu.memory_space<hbm>>
      %dma_wait3A_18 = tpu.memref_slice %arg8[%mul3A_2] : memref<10240xf32, #tpu.memory_space<vmem_shared>> -> memref<640xf32, #tpu.memory_space<vmem_shared>>
      tpu.wait_dma2 semaphore(%run_scoped3A : memref<!tpu.dma_semaphore, #tpu.memory_space<semaphore_mem>>) src(%dma_wait3A_18 : memref<640xf32, #tpu.memory_space<vmem_shared>>) dst(%dma_wait3A_17 : memref<640xf32, #tpu.memory_space<hbm>>)
      tpu.yield
    }) : () -> ()
    return
  }
}

#map = affine_map<(d0, d1) -> (0, 0)>
#map1 = affine_map<(d0, d1) -> (0, 0, 0, 0)>
#map2 = affine_map<(d0, d1) -> (0, 0, 0)>
module attributes {stable_mosaic.version = 14 : i64} {
  func.func @body(%arg0: i32, %arg1: i32, %arg2: memref<10240x128xf32, #tpu.memory_space<hbm>>, %arg3: memref<32x128x2x80xi32, #tpu.memory_space<hbm>>, %arg4: memref<10240x128xf32, #tpu.memory_space<hbm>>, %arg5: memref<2x10240x128xf32, #tpu.memory_space<hbm>>, %arg6: memref<2x80xi32, #tpu.memory_space<vmem>>, %arg7: memref<2x80xi32, #tpu.memory_space<vmem>>, %arg8: memref<2x80xi32, #tpu.memory_space<vmem>>, %arg9: memref<2x80xi32, #tpu.memory_space<vmem>>, %arg10: memref<80x128xf32, #tpu.memory_space<vmem>>, %arg11: memref<80x128xf32, #tpu.memory_space<vmem>>, %arg12: memref<80x128xf32, #tpu.memory_space<vmem>>, %arg13: memref<80x128xf32, #tpu.memory_space<vmem>>, %arg14: memref<!tpu.dma_semaphore, #tpu.memory_space<semaphore_mem>>, %arg15: memref<!tpu.dma_semaphore, #tpu.memory_space<semaphore_mem>>, %arg16: memref<!tpu.dma_semaphore, #tpu.memory_space<semaphore_mem>>, %arg17: memref<!tpu.dma_semaphore, #tpu.memory_space<semaphore_mem>>, %arg18: memref<!tpu.dma_semaphore, #tpu.memory_space<semaphore_mem>>, %arg19: memref<!tpu.dma_semaphore, #tpu.memory_space<semaphore_mem>>, %arg20: memref<!tpu.dma_semaphore, #tpu.memory_space<semaphore_mem>>, %arg21: memref<!tpu.dma_semaphore, #tpu.memory_space<semaphore_mem>>, %arg22: memref<!tpu.dma_semaphore, #tpu.memory_space<semaphore_mem>>, %arg23: memref<!tpu.dma_semaphore, #tpu.memory_space<semaphore_mem>>, %arg24: memref<!tpu.dma_semaphore, #tpu.memory_space<semaphore_mem>>, %arg25: memref<!tpu.dma_semaphore, #tpu.memory_space<semaphore_mem>>, %arg26: memref<10240x128xf32, #tpu.memory_space<vmem_shared>>) attributes {dimension_semantics = [#tpu.dimension_semantics<core_parallel>, #tpu.dimension_semantics<subcore_parallel>], iteration_bounds = array<i64: 2, 16>, scalar_prefetch = 0 : i64, scratch_operands = 21 : i64, tpu.core_type = #tpu.core_type<sc_vector_subcore>, window_params = [{transform_indices = #map}, {transform_indices = #map1}, {transform_indices = #map}, {transform_indices = #map2}]} {
    %mul3A = arith.constant 2 : i32
    %mul3A_0 = arith.muli %arg1, %mul3A : i32
    %add3A = arith.addi %mul3A_0, %arg0 : i32
    %mul3A_1 = arith.constant 640 : i32
    %mul3A_2 = arith.muli %arg1, %mul3A_1 : i32
    "tpu.region"() ({
      %run_scoped3A = tpu.sem_alloc : memref<!tpu.dma_semaphore, #tpu.memory_space<semaphore_mem>>
      %dma_start3A_55 = arith.constant 0 : i32
      %dma_start3A_56 = tpu.memref_slice %arg26[%mul3A_2, %dma_start3A_55] : memref<10240x128xf32, #tpu.memory_space<vmem_shared>> -> memref<640x128xf32, #tpu.memory_space<vmem_shared>>
      %dma_start3A_57 = arith.constant 0 : i32
      %dma_start3A_58 = tpu.memref_slice %arg4[%mul3A_2, %dma_start3A_57] : memref<10240x128xf32, #tpu.memory_space<hbm>> -> memref<640x128xf32, #tpu.memory_space<hbm>>
      tpu.enqueue_dma source(%dma_start3A_58 : memref<640x128xf32, #tpu.memory_space<hbm>>) target(%dma_start3A_56 : memref<640x128xf32, #tpu.memory_space<vmem_shared>>) target_semaphore(%run_scoped3A : memref<!tpu.dma_semaphore, #tpu.memory_space<semaphore_mem>>)
      %dma_wait3A_59 = arith.constant 0 : i32
      %dma_wait3A_60 = tpu.memref_slice %arg26[%mul3A_2, %dma_wait3A_59] : memref<10240x128xf32, #tpu.memory_space<vmem_shared>> -> memref<640x128xf32, #tpu.memory_space<vmem_shared>>
      %dma_wait3A_61 = arith.constant 0 : i32
      %dma_wait3A_62 = tpu.memref_slice %arg4[%mul3A_2, %dma_wait3A_61] : memref<10240x128xf32, #tpu.memory_space<hbm>> -> memref<640x128xf32, #tpu.memory_space<hbm>>
      tpu.wait_dma2 semaphore(%run_scoped3A : memref<!tpu.dma_semaphore, #tpu.memory_space<semaphore_mem>>) src(%dma_wait3A_62 : memref<640x128xf32, #tpu.memory_space<hbm>>) dst(%dma_wait3A_60 : memref<640x128xf32, #tpu.memory_space<vmem_shared>>)
      tpu.yield
    }) : () -> ()
    %dma_start3A = arith.constant 0 : i32
    %dma_start3A_3 = arith.constant 0 : i32
    %dma_start3A_4 = arith.constant 0 : i32
    %dma_start3A_5 = tpu.memref_slice %arg3[%add3A, %dma_start3A, %dma_start3A_3, %dma_start3A_4] : memref<32x128x2x80xi32, #tpu.memory_space<hbm>> -> memref<1x1x2x80xi32, #tpu.memory_space<hbm>>
    %dma_start3A_6 = tpu.memref_squeeze %dma_start3A_5 : memref<1x1x2x80xi32, #tpu.memory_space<hbm>> -> memref<2x80xi32, #tpu.memory_space<hbm>>
    %dma_start3A_7 = arith.constant 0 : i32
    %dma_start3A_8 = arith.constant 0 : i32
    %dma_start3A_9 = tpu.memref_slice %arg3[%add3A, %dma_start3A, %dma_start3A_7, %dma_start3A_8] : memref<32x128x2x80xi32, #tpu.memory_space<hbm>> -> memref<1x1x2x80xi32, #tpu.memory_space<hbm>>
    %dma_start3A_10 = tpu.memref_squeeze %dma_start3A_9 : memref<1x1x2x80xi32, #tpu.memory_space<hbm>> -> memref<2x80xi32, #tpu.memory_space<hbm>>
    tpu.enqueue_dma source(%dma_start3A_10 : memref<2x80xi32, #tpu.memory_space<hbm>>) target(%arg6 : memref<2x80xi32, #tpu.memory_space<vmem>>) target_semaphore(%arg14 : memref<!tpu.dma_semaphore, #tpu.memory_space<semaphore_mem>>)
    %dma_start3A_11 = arith.constant 1 : i32
    %dma_start3A_12 = arith.constant 0 : i32
    %dma_start3A_13 = arith.constant 0 : i32
    %dma_start3A_14 = tpu.memref_slice %arg3[%add3A, %dma_start3A_11, %dma_start3A_12, %dma_start3A_13] : memref<32x128x2x80xi32, #tpu.memory_space<hbm>> -> memref<1x1x2x80xi32, #tpu.memory_space<hbm>>
    %dma_start3A_15 = tpu.memref_squeeze %dma_start3A_14 : memref<1x1x2x80xi32, #tpu.memory_space<hbm>> -> memref<2x80xi32, #tpu.memory_space<hbm>>
    %dma_start3A_16 = arith.constant 0 : i32
    %dma_start3A_17 = arith.constant 0 : i32
    %dma_start3A_18 = tpu.memref_slice %arg3[%add3A, %dma_start3A_11, %dma_start3A_16, %dma_start3A_17] : memref<32x128x2x80xi32, #tpu.memory_space<hbm>> -> memref<1x1x2x80xi32, #tpu.memory_space<hbm>>
    %dma_start3A_19 = tpu.memref_squeeze %dma_start3A_18 : memref<1x1x2x80xi32, #tpu.memory_space<hbm>> -> memref<2x80xi32, #tpu.memory_space<hbm>>
    tpu.enqueue_dma source(%dma_start3A_19 : memref<2x80xi32, #tpu.memory_space<hbm>>) target(%arg7 : memref<2x80xi32, #tpu.memory_space<vmem>>) target_semaphore(%arg15 : memref<!tpu.dma_semaphore, #tpu.memory_space<semaphore_mem>>)
    %dma_wait3A = arith.constant 0 : i32
    %dma_wait3A_20 = arith.constant 0 : i32
    %dma_wait3A_21 = arith.constant 0 : i32
    %dma_wait3A_22 = tpu.memref_slice %arg3[%add3A, %dma_wait3A, %dma_wait3A_20, %dma_wait3A_21] : memref<32x128x2x80xi32, #tpu.memory_space<hbm>> -> memref<1x1x2x80xi32, #tpu.memory_space<hbm>>
    %dma_wait3A_23 = tpu.memref_squeeze %dma_wait3A_22 : memref<1x1x2x80xi32, #tpu.memory_space<hbm>> -> memref<2x80xi32, #tpu.memory_space<hbm>>
    %dma_wait3A_24 = arith.constant 0 : i32
    %dma_wait3A_25 = arith.constant 0 : i32
    %dma_wait3A_26 = tpu.memref_slice %arg3[%add3A, %dma_wait3A, %dma_wait3A_24, %dma_wait3A_25] : memref<32x128x2x80xi32, #tpu.memory_space<hbm>> -> memref<1x1x2x80xi32, #tpu.memory_space<hbm>>
    %dma_wait3A_27 = tpu.memref_squeeze %dma_wait3A_26 : memref<1x1x2x80xi32, #tpu.memory_space<hbm>> -> memref<2x80xi32, #tpu.memory_space<hbm>>
    tpu.wait_dma2 semaphore(%arg14 : memref<!tpu.dma_semaphore, #tpu.memory_space<semaphore_mem>>) src(%dma_wait3A_27 : memref<2x80xi32, #tpu.memory_space<hbm>>) dst(%arg6 : memref<2x80xi32, #tpu.memory_space<vmem>>)
    %dma_start3A_28 = arith.constant 0 : i32
    %dma_start3A_29 = arith.constant 0 : i32
    %dma_start3A_30 = tpu.memref_slice %arg6[%dma_start3A_28, %dma_start3A_29] : memref<2x80xi32, #tpu.memory_space<vmem>> -> memref<1x80xi32, #tpu.memory_space<vmem>>
    %dma_start3A_31 = tpu.memref_squeeze %dma_start3A_30 : memref<1x80xi32, #tpu.memory_space<vmem>> -> memref<80xi32, #tpu.memory_space<vmem>>
    %dma_start3A_32 = arith.constant 0 : i32
    %dma_start3A_33 = arith.constant 0 : i32
    %dma_start3A_34 = tpu.memref_slice %arg2[%dma_start3A_32, %dma_start3A_33] : memref<10240x128xf32, #tpu.memory_space<hbm>> -> memref<10240x128xf32, #tpu.memory_space<hbm>>
    tpu.enqueue_indirect_dma source(%dma_start3A_34 : memref<10240x128xf32, #tpu.memory_space<hbm>>) target(%arg10 : memref<80x128xf32, #tpu.memory_space<vmem>>) offsets(%dma_start3A_31 : memref<80xi32, #tpu.memory_space<vmem>>) semaphore(%arg18 : memref<!tpu.dma_semaphore, #tpu.memory_space<semaphore_mem>>)
    %barrier3A = arith.constant 0 : index
    tpu.barrier barrier_id(%barrier3A)
    %scan3A = arith.constant 0 : i32
    %scan3A_35 = arith.constant 0 : i32
    %scan3A_36 = arith.constant 32 : i32
    %scan3A_37 = arith.addi %scan3A_35, %scan3A_36 : i32
    %scan3A_38 = arith.constant 1 : i32
    scf.for %scan3A_55 = %scan3A_35 to %scan3A_37 step %scan3A_38  : i32 {
      %mul3A_56 = arith.constant 4 : i32
      %mul3A_57 = arith.muli %scan3A_55, %mul3A_56 : i32
      %add3A_58 = arith.constant 0 : i32
      %add3A_59 = arith.addi %mul3A_57, %add3A_58 : i32
      %ge3A = arith.constant 2 : i32
      %ge3A_60 = arith.cmpi sge, %add3A_59, %ge3A : i32
      %convert_element_type3A = arith.extui %ge3A_60 : i1 to i32
      %cond3A = arith.constant 0 : i32
      %cond3A_61 = arith.cmpi ne, %convert_element_type3A, %cond3A : i32
      scf.if %cond3A_61 {
        %dma_wait3A_200 = arith.constant 1 : i32
        %dma_wait3A_201 = arith.constant 0 : i32
        %dma_wait3A_202 = tpu.memref_slice %arg8[%dma_wait3A_200, %dma_wait3A_201] : memref<2x80xi32, #tpu.memory_space<vmem>> -> memref<1x80xi32, #tpu.memory_space<vmem>>
        %dma_wait3A_203 = tpu.memref_squeeze %dma_wait3A_202 : memref<1x80xi32, #tpu.memory_space<vmem>> -> memref<80xi32, #tpu.memory_space<vmem>>
        %dma_wait3A_204 = arith.constant 0 : i32
        %dma_wait3A_205 = arith.constant 0 : i32
        %dma_wait3A_206 = tpu.memref_slice %arg26[%dma_wait3A_204, %dma_wait3A_205] : memref<10240x128xf32, #tpu.memory_space<vmem_shared>> -> memref<10240x128xf32, #tpu.memory_space<vmem_shared>>
        tpu.wait_indirect_dma semaphore(%arg24 : memref<!tpu.dma_semaphore, #tpu.memory_space<semaphore_mem>>) src(%arg12 : memref<80x128xf32, #tpu.memory_space<vmem>>) dst(%dma_wait3A_206 : memref<10240x128xf32, #tpu.memory_space<vmem_shared>>)
      } else {
      }
      %add3A_62 = arith.constant 2 : i32
      %add3A_63 = arith.addi %add3A_59, %add3A_62 : i32
      %lt3A = arith.constant 128 : i32
      %lt3A_64 = arith.cmpi slt, %add3A_63, %lt3A : i32
      %convert_element_type3A_65 = arith.extui %lt3A_64 : i1 to i32
      %cond3A_66 = arith.constant 0 : i32
      %cond3A_67 = arith.cmpi ne, %convert_element_type3A_65, %cond3A_66 : i32
      scf.if %cond3A_67 {
        %add3A_200 = arith.constant 2 : i32
        %add3A_201 = arith.addi %add3A_59, %add3A_200 : i32
        %dma_start3A_202 = arith.constant 0 : i32
        %dma_start3A_203 = arith.constant 0 : i32
        %dma_start3A_204 = tpu.memref_slice %arg3[%add3A, %add3A_201, %dma_start3A_202, %dma_start3A_203] : memref<32x128x2x80xi32, #tpu.memory_space<hbm>> -> memref<1x1x2x80xi32, #tpu.memory_space<hbm>>
        %dma_start3A_205 = tpu.memref_squeeze %dma_start3A_204 : memref<1x1x2x80xi32, #tpu.memory_space<hbm>> -> memref<2x80xi32, #tpu.memory_space<hbm>>
        %dma_start3A_206 = arith.constant 0 : i32
        %dma_start3A_207 = arith.constant 0 : i32
        %dma_start3A_208 = tpu.memref_slice %arg3[%add3A, %add3A_201, %dma_start3A_206, %dma_start3A_207] : memref<32x128x2x80xi32, #tpu.memory_space<hbm>> -> memref<1x1x2x80xi32, #tpu.memory_space<hbm>>
        %dma_start3A_209 = tpu.memref_squeeze %dma_start3A_208 : memref<1x1x2x80xi32, #tpu.memory_space<hbm>> -> memref<2x80xi32, #tpu.memory_space<hbm>>
        tpu.enqueue_dma source(%dma_start3A_209 : memref<2x80xi32, #tpu.memory_space<hbm>>) target(%arg8 : memref<2x80xi32, #tpu.memory_space<vmem>>) target_semaphore(%arg16 : memref<!tpu.dma_semaphore, #tpu.memory_space<semaphore_mem>>)
      } else {
      }
      %add3A_68 = arith.constant 1 : i32
      %add3A_69 = arith.addi %add3A_59, %add3A_68 : i32
      %lt3A_70 = arith.constant 128 : i32
      %lt3A_71 = arith.cmpi slt, %add3A_69, %lt3A_70 : i32
      %convert_element_type3A_72 = arith.extui %lt3A_71 : i1 to i32
      %cond3A_73 = arith.constant 0 : i32
      %cond3A_74 = arith.cmpi ne, %convert_element_type3A_72, %cond3A_73 : i32
      scf.if %cond3A_74 {
        %add3A_200 = arith.constant 1 : i32
        %add3A_201 = arith.addi %add3A_59, %add3A_200 : i32
        %dma_wait3A_202 = arith.constant 0 : i32
        %dma_wait3A_203 = arith.constant 0 : i32
        %dma_wait3A_204 = tpu.memref_slice %arg3[%add3A, %add3A_201, %dma_wait3A_202, %dma_wait3A_203] : memref<32x128x2x80xi32, #tpu.memory_space<hbm>> -> memref<1x1x2x80xi32, #tpu.memory_space<hbm>>
        %dma_wait3A_205 = tpu.memref_squeeze %dma_wait3A_204 : memref<1x1x2x80xi32, #tpu.memory_space<hbm>> -> memref<2x80xi32, #tpu.memory_space<hbm>>
        %dma_wait3A_206 = arith.constant 0 : i32
        %dma_wait3A_207 = arith.constant 0 : i32
        %dma_wait3A_208 = tpu.memref_slice %arg3[%add3A, %add3A_201, %dma_wait3A_206, %dma_wait3A_207] : memref<32x128x2x80xi32, #tpu.memory_space<hbm>> -> memref<1x1x2x80xi32, #tpu.memory_space<hbm>>
        %dma_wait3A_209 = tpu.memref_squeeze %dma_wait3A_208 : memref<1x1x2x80xi32, #tpu.memory_space<hbm>> -> memref<2x80xi32, #tpu.memory_space<hbm>>
        tpu.wait_dma2 semaphore(%arg15 : memref<!tpu.dma_semaphore, #tpu.memory_space<semaphore_mem>>) src(%dma_wait3A_209 : memref<2x80xi32, #tpu.memory_space<hbm>>) dst(%arg7 : memref<2x80xi32, #tpu.memory_space<vmem>>)
        %dma_start3A_210 = arith.constant 0 : i32
        %dma_start3A_211 = arith.constant 0 : i32
        %dma_start3A_212 = tpu.memref_slice %arg7[%dma_start3A_210, %dma_start3A_211] : memref<2x80xi32, #tpu.memory_space<vmem>> -> memref<1x80xi32, #tpu.memory_space<vmem>>
        %dma_start3A_213 = tpu.memref_squeeze %dma_start3A_212 : memref<1x80xi32, #tpu.memory_space<vmem>> -> memref<80xi32, #tpu.memory_space<vmem>>
        %dma_start3A_214 = arith.constant 0 : i32
        %dma_start3A_215 = arith.constant 0 : i32
        %dma_start3A_216 = tpu.memref_slice %arg2[%dma_start3A_214, %dma_start3A_215] : memref<10240x128xf32, #tpu.memory_space<hbm>> -> memref<10240x128xf32, #tpu.memory_space<hbm>>
        tpu.enqueue_indirect_dma source(%dma_start3A_216 : memref<10240x128xf32, #tpu.memory_space<hbm>>) target(%arg11 : memref<80x128xf32, #tpu.memory_space<vmem>>) offsets(%dma_start3A_213 : memref<80xi32, #tpu.memory_space<vmem>>) semaphore(%arg19 : memref<!tpu.dma_semaphore, #tpu.memory_space<semaphore_mem>>)
      } else {
      }
      %dma_wait3A_75 = arith.constant 0 : i32
      %dma_wait3A_76 = arith.constant 0 : i32
      %dma_wait3A_77 = tpu.memref_slice %arg6[%dma_wait3A_75, %dma_wait3A_76] : memref<2x80xi32, #tpu.memory_space<vmem>> -> memref<1x80xi32, #tpu.memory_space<vmem>>
      %dma_wait3A_78 = tpu.memref_squeeze %dma_wait3A_77 : memref<1x80xi32, #tpu.memory_space<vmem>> -> memref<80xi32, #tpu.memory_space<vmem>>
      %dma_wait3A_79 = arith.constant 0 : i32
      %dma_wait3A_80 = arith.constant 0 : i32
      %dma_wait3A_81 = tpu.memref_slice %arg2[%dma_wait3A_79, %dma_wait3A_80] : memref<10240x128xf32, #tpu.memory_space<hbm>> -> memref<10240x128xf32, #tpu.memory_space<hbm>>
      tpu.wait_indirect_dma semaphore(%arg18 : memref<!tpu.dma_semaphore, #tpu.memory_space<semaphore_mem>>) src(%dma_wait3A_81 : memref<10240x128xf32, #tpu.memory_space<hbm>>) dst(%arg10 : memref<80x128xf32, #tpu.memory_space<vmem>>)
      %dma_start3A_82 = arith.constant 1 : i32
      %dma_start3A_83 = arith.constant 0 : i32
      %dma_start3A_84 = tpu.memref_slice %arg6[%dma_start3A_82, %dma_start3A_83] : memref<2x80xi32, #tpu.memory_space<vmem>> -> memref<1x80xi32, #tpu.memory_space<vmem>>
      %dma_start3A_85 = tpu.memref_squeeze %dma_start3A_84 : memref<1x80xi32, #tpu.memory_space<vmem>> -> memref<80xi32, #tpu.memory_space<vmem>>
      %dma_start3A_86 = arith.constant 0 : i32
      %dma_start3A_87 = arith.constant 0 : i32
      %dma_start3A_88 = tpu.memref_slice %arg26[%dma_start3A_86, %dma_start3A_87] : memref<10240x128xf32, #tpu.memory_space<vmem_shared>> -> memref<10240x128xf32, #tpu.memory_space<vmem_shared>>
      tpu.enqueue_indirect_dma source(%arg10 : memref<80x128xf32, #tpu.memory_space<vmem>>) target(%dma_start3A_88 : memref<10240x128xf32, #tpu.memory_space<vmem_shared>>) offsets(%dma_start3A_85 : memref<80xi32, #tpu.memory_space<vmem>>) semaphore(%arg22 : memref<!tpu.dma_semaphore, #tpu.memory_space<semaphore_mem>>) {add = true}
      %mul3A_89 = arith.constant 4 : i32
      %mul3A_90 = arith.muli %scan3A_55, %mul3A_89 : i32
      %add3A_91 = arith.constant 1 : i32
      %add3A_92 = arith.addi %mul3A_90, %add3A_91 : i32
      %ge3A_93 = arith.constant 2 : i32
      %ge3A_94 = arith.cmpi sge, %add3A_92, %ge3A_93 : i32
      %convert_element_type3A_95 = arith.extui %ge3A_94 : i1 to i32
      %cond3A_96 = arith.constant 0 : i32
      %cond3A_97 = arith.cmpi ne, %convert_element_type3A_95, %cond3A_96 : i32
      scf.if %cond3A_97 {
        %dma_wait3A_200 = arith.constant 1 : i32
        %dma_wait3A_201 = arith.constant 0 : i32
        %dma_wait3A_202 = tpu.memref_slice %arg9[%dma_wait3A_200, %dma_wait3A_201] : memref<2x80xi32, #tpu.memory_space<vmem>> -> memref<1x80xi32, #tpu.memory_space<vmem>>
        %dma_wait3A_203 = tpu.memref_squeeze %dma_wait3A_202 : memref<1x80xi32, #tpu.memory_space<vmem>> -> memref<80xi32, #tpu.memory_space<vmem>>
        %dma_wait3A_204 = arith.constant 0 : i32
        %dma_wait3A_205 = arith.constant 0 : i32
        %dma_wait3A_206 = tpu.memref_slice %arg26[%dma_wait3A_204, %dma_wait3A_205] : memref<10240x128xf32, #tpu.memory_space<vmem_shared>> -> memref<10240x128xf32, #tpu.memory_space<vmem_shared>>
        tpu.wait_indirect_dma semaphore(%arg25 : memref<!tpu.dma_semaphore, #tpu.memory_space<semaphore_mem>>) src(%arg13 : memref<80x128xf32, #tpu.memory_space<vmem>>) dst(%dma_wait3A_206 : memref<10240x128xf32, #tpu.memory_space<vmem_shared>>)
      } else {
      }
      %add3A_98 = arith.constant 2 : i32
      %add3A_99 = arith.addi %add3A_92, %add3A_98 : i32
      %lt3A_100 = arith.constant 128 : i32
      %lt3A_101 = arith.cmpi slt, %add3A_99, %lt3A_100 : i32
      %convert_element_type3A_102 = arith.extui %lt3A_101 : i1 to i32
      %cond3A_103 = arith.constant 0 : i32
      %cond3A_104 = arith.cmpi ne, %convert_element_type3A_102, %cond3A_103 : i32
      scf.if %cond3A_104 {
        %add3A_200 = arith.constant 2 : i32
        %add3A_201 = arith.addi %add3A_92, %add3A_200 : i32
        %dma_start3A_202 = arith.constant 0 : i32
        %dma_start3A_203 = arith.constant 0 : i32
        %dma_start3A_204 = tpu.memref_slice %arg3[%add3A, %add3A_201, %dma_start3A_202, %dma_start3A_203] : memref<32x128x2x80xi32, #tpu.memory_space<hbm>> -> memref<1x1x2x80xi32, #tpu.memory_space<hbm>>
        %dma_start3A_205 = tpu.memref_squeeze %dma_start3A_204 : memref<1x1x2x80xi32, #tpu.memory_space<hbm>> -> memref<2x80xi32, #tpu.memory_space<hbm>>
        %dma_start3A_206 = arith.constant 0 : i32
        %dma_start3A_207 = arith.constant 0 : i32
        %dma_start3A_208 = tpu.memref_slice %arg3[%add3A, %add3A_201, %dma_start3A_206, %dma_start3A_207] : memref<32x128x2x80xi32, #tpu.memory_space<hbm>> -> memref<1x1x2x80xi32, #tpu.memory_space<hbm>>
        %dma_start3A_209 = tpu.memref_squeeze %dma_start3A_208 : memref<1x1x2x80xi32, #tpu.memory_space<hbm>> -> memref<2x80xi32, #tpu.memory_space<hbm>>
        tpu.enqueue_dma source(%dma_start3A_209 : memref<2x80xi32, #tpu.memory_space<hbm>>) target(%arg9 : memref<2x80xi32, #tpu.memory_space<vmem>>) target_semaphore(%arg17 : memref<!tpu.dma_semaphore, #tpu.memory_space<semaphore_mem>>)
      } else {
      }
      %add3A_105 = arith.constant 1 : i32
      %add3A_106 = arith.addi %add3A_92, %add3A_105 : i32
      %lt3A_107 = arith.constant 128 : i32
      %lt3A_108 = arith.cmpi slt, %add3A_106, %lt3A_107 : i32
      %convert_element_type3A_109 = arith.extui %lt3A_108 : i1 to i32
      %cond3A_110 = arith.constant 0 : i32
      %cond3A_111 = arith.cmpi ne, %convert_element_type3A_109, %cond3A_110 : i32
      scf.if %cond3A_111 {
        %add3A_200 = arith.constant 1 : i32
        %add3A_201 = arith.addi %add3A_92, %add3A_200 : i32
        %dma_wait3A_202 = arith.constant 0 : i32
        %dma_wait3A_203 = arith.constant 0 : i32
        %dma_wait3A_204 = tpu.memref_slice %arg3[%add3A, %add3A_201, %dma_wait3A_202, %dma_wait3A_203] : memref<32x128x2x80xi32, #tpu.memory_space<hbm>> -> memref<1x1x2x80xi32, #tpu.memory_space<hbm>>
        %dma_wait3A_205 = tpu.memref_squeeze %dma_wait3A_204 : memref<1x1x2x80xi32, #tpu.memory_space<hbm>> -> memref<2x80xi32, #tpu.memory_space<hbm>>
        %dma_wait3A_206 = arith.constant 0 : i32
        %dma_wait3A_207 = arith.constant 0 : i32
        %dma_wait3A_208 = tpu.memref_slice %arg3[%add3A, %add3A_201, %dma_wait3A_206, %dma_wait3A_207] : memref<32x128x2x80xi32, #tpu.memory_space<hbm>> -> memref<1x1x2x80xi32, #tpu.memory_space<hbm>>
        %dma_wait3A_209 = tpu.memref_squeeze %dma_wait3A_208 : memref<1x1x2x80xi32, #tpu.memory_space<hbm>> -> memref<2x80xi32, #tpu.memory_space<hbm>>
        tpu.wait_dma2 semaphore(%arg16 : memref<!tpu.dma_semaphore, #tpu.memory_space<semaphore_mem>>) src(%dma_wait3A_209 : memref<2x80xi32, #tpu.memory_space<hbm>>) dst(%arg8 : memref<2x80xi32, #tpu.memory_space<vmem>>)
        %dma_start3A_210 = arith.constant 0 : i32
        %dma_start3A_211 = arith.constant 0 : i32
        %dma_start3A_212 = tpu.memref_slice %arg8[%dma_start3A_210, %dma_start3A_211] : memref<2x80xi32, #tpu.memory_space<vmem>> -> memref<1x80xi32, #tpu.memory_space<vmem>>
        %dma_start3A_213 = tpu.memref_squeeze %dma_start3A_212 : memref<1x80xi32, #tpu.memory_space<vmem>> -> memref<80xi32, #tpu.memory_space<vmem>>
        %dma_start3A_214 = arith.constant 0 : i32
        %dma_start3A_215 = arith.constant 0 : i32
        %dma_start3A_216 = tpu.memref_slice %arg2[%dma_start3A_214, %dma_start3A_215] : memref<10240x128xf32, #tpu.memory_space<hbm>> -> memref<10240x128xf32, #tpu.memory_space<hbm>>
        tpu.enqueue_indirect_dma source(%dma_start3A_216 : memref<10240x128xf32, #tpu.memory_space<hbm>>) target(%arg12 : memref<80x128xf32, #tpu.memory_space<vmem>>) offsets(%dma_start3A_213 : memref<80xi32, #tpu.memory_space<vmem>>) semaphore(%arg20 : memref<!tpu.dma_semaphore, #tpu.memory_space<semaphore_mem>>)
      } else {
      }
      %dma_wait3A_112 = arith.constant 0 : i32
      %dma_wait3A_113 = arith.constant 0 : i32
      %dma_wait3A_114 = tpu.memref_slice %arg7[%dma_wait3A_112, %dma_wait3A_113] : memref<2x80xi32, #tpu.memory_space<vmem>> -> memref<1x80xi32, #tpu.memory_space<vmem>>
      %dma_wait3A_115 = tpu.memref_squeeze %dma_wait3A_114 : memref<1x80xi32, #tpu.memory_space<vmem>> -> memref<80xi32, #tpu.memory_space<vmem>>
      %dma_wait3A_116 = arith.constant 0 : i32
      %dma_wait3A_117 = arith.constant 0 : i32
      %dma_wait3A_118 = tpu.memref_slice %arg2[%dma_wait3A_116, %dma_wait3A_117] : memref<10240x128xf32, #tpu.memory_space<hbm>> -> memref<10240x128xf32, #tpu.memory_space<hbm>>
      tpu.wait_indirect_dma semaphore(%arg19 : memref<!tpu.dma_semaphore, #tpu.memory_space<semaphore_mem>>) src(%dma_wait3A_118 : memref<10240x128xf32, #tpu.memory_space<hbm>>) dst(%arg11 : memref<80x128xf32, #tpu.memory_space<vmem>>)
      %dma_start3A_119 = arith.constant 1 : i32
      %dma_start3A_120 = arith.constant 0 : i32
      %dma_start3A_121 = tpu.memref_slice %arg7[%dma_start3A_119, %dma_start3A_120] : memref<2x80xi32, #tpu.memory_space<vmem>> -> memref<1x80xi32, #tpu.memory_space<vmem>>
      %dma_start3A_122 = tpu.memref_squeeze %dma_start3A_121 : memref<1x80xi32, #tpu.memory_space<vmem>> -> memref<80xi32, #tpu.memory_space<vmem>>
      %dma_start3A_123 = arith.constant 0 : i32
      %dma_start3A_124 = arith.constant 0 : i32
      %dma_start3A_125 = tpu.memref_slice %arg26[%dma_start3A_123, %dma_start3A_124] : memref<10240x128xf32, #tpu.memory_space<vmem_shared>> -> memref<10240x128xf32, #tpu.memory_space<vmem_shared>>
      tpu.enqueue_indirect_dma source(%arg11 : memref<80x128xf32, #tpu.memory_space<vmem>>) target(%dma_start3A_125 : memref<10240x128xf32, #tpu.memory_space<vmem_shared>>) offsets(%dma_start3A_122 : memref<80xi32, #tpu.memory_space<vmem>>) semaphore(%arg23 : memref<!tpu.dma_semaphore, #tpu.memory_space<semaphore_mem>>) {add = true}
      %mul3A_126 = arith.constant 4 : i32
      %mul3A_127 = arith.muli %scan3A_55, %mul3A_126 : i32
      %add3A_128 = arith.constant 2 : i32
      %add3A_129 = arith.addi %mul3A_127, %add3A_128 : i32
      %ge3A_130 = arith.constant 2 : i32
      %ge3A_131 = arith.cmpi sge, %add3A_129, %ge3A_130 : i32
      %convert_element_type3A_132 = arith.extui %ge3A_131 : i1 to i32
      %cond3A_133 = arith.constant 0 : i32
      %cond3A_134 = arith.cmpi ne, %convert_element_type3A_132, %cond3A_133 : i32
      scf.if %cond3A_134 {
        %dma_wait3A_200 = arith.constant 1 : i32
        %dma_wait3A_201 = arith.constant 0 : i32
        %dma_wait3A_202 = tpu.memref_slice %arg6[%dma_wait3A_200, %dma_wait3A_201] : memref<2x80xi32, #tpu.memory_space<vmem>> -> memref<1x80xi32, #tpu.memory_space<vmem>>
        %dma_wait3A_203 = tpu.memref_squeeze %dma_wait3A_202 : memref<1x80xi32, #tpu.memory_space<vmem>> -> memref<80xi32, #tpu.memory_space<vmem>>
        %dma_wait3A_204 = arith.constant 0 : i32
        %dma_wait3A_205 = arith.constant 0 : i32
        %dma_wait3A_206 = tpu.memref_slice %arg26[%dma_wait3A_204, %dma_wait3A_205] : memref<10240x128xf32, #tpu.memory_space<vmem_shared>> -> memref<10240x128xf32, #tpu.memory_space<vmem_shared>>
        tpu.wait_indirect_dma semaphore(%arg22 : memref<!tpu.dma_semaphore, #tpu.memory_space<semaphore_mem>>) src(%arg10 : memref<80x128xf32, #tpu.memory_space<vmem>>) dst(%dma_wait3A_206 : memref<10240x128xf32, #tpu.memory_space<vmem_shared>>)
      } else {
      }
      %add3A_135 = arith.constant 2 : i32
      %add3A_136 = arith.addi %add3A_129, %add3A_135 : i32
      %lt3A_137 = arith.constant 128 : i32
      %lt3A_138 = arith.cmpi slt, %add3A_136, %lt3A_137 : i32
      %convert_element_type3A_139 = arith.extui %lt3A_138 : i1 to i32
      %cond3A_140 = arith.constant 0 : i32
      %cond3A_141 = arith.cmpi ne, %convert_element_type3A_139, %cond3A_140 : i32
      scf.if %cond3A_141 {
        %add3A_200 = arith.constant 2 : i32
        %add3A_201 = arith.addi %add3A_129, %add3A_200 : i32
        %dma_start3A_202 = arith.constant 0 : i32
        %dma_start3A_203 = arith.constant 0 : i32
        %dma_start3A_204 = tpu.memref_slice %arg3[%add3A, %add3A_201, %dma_start3A_202, %dma_start3A_203] : memref<32x128x2x80xi32, #tpu.memory_space<hbm>> -> memref<1x1x2x80xi32, #tpu.memory_space<hbm>>
        %dma_start3A_205 = tpu.memref_squeeze %dma_start3A_204 : memref<1x1x2x80xi32, #tpu.memory_space<hbm>> -> memref<2x80xi32, #tpu.memory_space<hbm>>
        %dma_start3A_206 = arith.constant 0 : i32
        %dma_start3A_207 = arith.constant 0 : i32
        %dma_start3A_208 = tpu.memref_slice %arg3[%add3A, %add3A_201, %dma_start3A_206, %dma_start3A_207] : memref<32x128x2x80xi32, #tpu.memory_space<hbm>> -> memref<1x1x2x80xi32, #tpu.memory_space<hbm>>
        %dma_start3A_209 = tpu.memref_squeeze %dma_start3A_208 : memref<1x1x2x80xi32, #tpu.memory_space<hbm>> -> memref<2x80xi32, #tpu.memory_space<hbm>>
        tpu.enqueue_dma source(%dma_start3A_209 : memref<2x80xi32, #tpu.memory_space<hbm>>) target(%arg6 : memref<2x80xi32, #tpu.memory_space<vmem>>) target_semaphore(%arg14 : memref<!tpu.dma_semaphore, #tpu.memory_space<semaphore_mem>>)
      } else {
      }
      %add3A_142 = arith.constant 1 : i32
      %add3A_143 = arith.addi %add3A_129, %add3A_142 : i32
      %lt3A_144 = arith.constant 128 : i32
      %lt3A_145 = arith.cmpi slt, %add3A_143, %lt3A_144 : i32
      %convert_element_type3A_146 = arith.extui %lt3A_145 : i1 to i32
      %cond3A_147 = arith.constant 0 : i32
      %cond3A_148 = arith.cmpi ne, %convert_element_type3A_146, %cond3A_147 : i32
      scf.if %cond3A_148 {
        %add3A_200 = arith.constant 1 : i32
        %add3A_201 = arith.addi %add3A_129, %add3A_200 : i32
        %dma_wait3A_202 = arith.constant 0 : i32
        %dma_wait3A_203 = arith.constant 0 : i32
        %dma_wait3A_204 = tpu.memref_slice %arg3[%add3A, %add3A_201, %dma_wait3A_202, %dma_wait3A_203] : memref<32x128x2x80xi32, #tpu.memory_space<hbm>> -> memref<1x1x2x80xi32, #tpu.memory_space<hbm>>
        %dma_wait3A_205 = tpu.memref_squeeze %dma_wait3A_204 : memref<1x1x2x80xi32, #tpu.memory_space<hbm>> -> memref<2x80xi32, #tpu.memory_space<hbm>>
        %dma_wait3A_206 = arith.constant 0 : i32
        %dma_wait3A_207 = arith.constant 0 : i32
        %dma_wait3A_208 = tpu.memref_slice %arg3[%add3A, %add3A_201, %dma_wait3A_206, %dma_wait3A_207] : memref<32x128x2x80xi32, #tpu.memory_space<hbm>> -> memref<1x1x2x80xi32, #tpu.memory_space<hbm>>
        %dma_wait3A_209 = tpu.memref_squeeze %dma_wait3A_208 : memref<1x1x2x80xi32, #tpu.memory_space<hbm>> -> memref<2x80xi32, #tpu.memory_space<hbm>>
        tpu.wait_dma2 semaphore(%arg17 : memref<!tpu.dma_semaphore, #tpu.memory_space<semaphore_mem>>) src(%dma_wait3A_209 : memref<2x80xi32, #tpu.memory_space<hbm>>) dst(%arg9 : memref<2x80xi32, #tpu.memory_space<vmem>>)
        %dma_start3A_210 = arith.constant 0 : i32
        %dma_start3A_211 = arith.constant 0 : i32
        %dma_start3A_212 = tpu.memref_slice %arg9[%dma_start3A_210, %dma_start3A_211] : memref<2x80xi32, #tpu.memory_space<vmem>> -> memref<1x80xi32, #tpu.memory_space<vmem>>
        %dma_start3A_213 = tpu.memref_squeeze %dma_start3A_212 : memref<1x80xi32, #tpu.memory_space<vmem>> -> memref<80xi32, #tpu.memory_space<vmem>>
        %dma_start3A_214 = arith.constant 0 : i32
        %dma_start3A_215 = arith.constant 0 : i32
        %dma_start3A_216 = tpu.memref_slice %arg2[%dma_start3A_214, %dma_start3A_215] : memref<10240x128xf32, #tpu.memory_space<hbm>> -> memref<10240x128xf32, #tpu.memory_space<hbm>>
        tpu.enqueue_indirect_dma source(%dma_start3A_216 : memref<10240x128xf32, #tpu.memory_space<hbm>>) target(%arg13 : memref<80x128xf32, #tpu.memory_space<vmem>>) offsets(%dma_start3A_213 : memref<80xi32, #tpu.memory_space<vmem>>) semaphore(%arg21 : memref<!tpu.dma_semaphore, #tpu.memory_space<semaphore_mem>>)
      } else {
      }
      %dma_wait3A_149 = arith.constant 0 : i32
      %dma_wait3A_150 = arith.constant 0 : i32
      %dma_wait3A_151 = tpu.memref_slice %arg8[%dma_wait3A_149, %dma_wait3A_150] : memref<2x80xi32, #tpu.memory_space<vmem>> -> memref<1x80xi32, #tpu.memory_space<vmem>>
      %dma_wait3A_152 = tpu.memref_squeeze %dma_wait3A_151 : memref<1x80xi32, #tpu.memory_space<vmem>> -> memref<80xi32, #tpu.memory_space<vmem>>
      %dma_wait3A_153 = arith.constant 0 : i32
      %dma_wait3A_154 = arith.constant 0 : i32
      %dma_wait3A_155 = tpu.memref_slice %arg2[%dma_wait3A_153, %dma_wait3A_154] : memref<10240x128xf32, #tpu.memory_space<hbm>> -> memref<10240x128xf32, #tpu.memory_space<hbm>>
      tpu.wait_indirect_dma semaphore(%arg20 : memref<!tpu.dma_semaphore, #tpu.memory_space<semaphore_mem>>) src(%dma_wait3A_155 : memref<10240x128xf32, #tpu.memory_space<hbm>>) dst(%arg12 : memref<80x128xf32, #tpu.memory_space<vmem>>)
      %dma_start3A_156 = arith.constant 1 : i32
      %dma_start3A_157 = arith.constant 0 : i32
      %dma_start3A_158 = tpu.memref_slice %arg8[%dma_start3A_156, %dma_start3A_157] : memref<2x80xi32, #tpu.memory_space<vmem>> -> memref<1x80xi32, #tpu.memory_space<vmem>>
      %dma_start3A_159 = tpu.memref_squeeze %dma_start3A_158 : memref<1x80xi32, #tpu.memory_space<vmem>> -> memref<80xi32, #tpu.memory_space<vmem>>
      %dma_start3A_160 = arith.constant 0 : i32
      %dma_start3A_161 = arith.constant 0 : i32
      %dma_start3A_162 = tpu.memref_slice %arg26[%dma_start3A_160, %dma_start3A_161] : memref<10240x128xf32, #tpu.memory_space<vmem_shared>> -> memref<10240x128xf32, #tpu.memory_space<vmem_shared>>
      tpu.enqueue_indirect_dma source(%arg12 : memref<80x128xf32, #tpu.memory_space<vmem>>) target(%dma_start3A_162 : memref<10240x128xf32, #tpu.memory_space<vmem_shared>>) offsets(%dma_start3A_159 : memref<80xi32, #tpu.memory_space<vmem>>) semaphore(%arg24 : memref<!tpu.dma_semaphore, #tpu.memory_space<semaphore_mem>>) {add = true}
      %mul3A_163 = arith.constant 4 : i32
      %mul3A_164 = arith.muli %scan3A_55, %mul3A_163 : i32
      %add3A_165 = arith.constant 3 : i32
      %add3A_166 = arith.addi %mul3A_164, %add3A_165 : i32
      %ge3A_167 = arith.constant 2 : i32
      %ge3A_168 = arith.cmpi sge, %add3A_166, %ge3A_167 : i32
      %convert_element_type3A_169 = arith.extui %ge3A_168 : i1 to i32
      %cond3A_170 = arith.constant 0 : i32
      %cond3A_171 = arith.cmpi ne, %convert_element_type3A_169, %cond3A_170 : i32
      scf.if %cond3A_171 {
        %dma_wait3A_200 = arith.constant 1 : i32
        %dma_wait3A_201 = arith.constant 0 : i32
        %dma_wait3A_202 = tpu.memref_slice %arg7[%dma_wait3A_200, %dma_wait3A_201] : memref<2x80xi32, #tpu.memory_space<vmem>> -> memref<1x80xi32, #tpu.memory_space<vmem>>
        %dma_wait3A_203 = tpu.memref_squeeze %dma_wait3A_202 : memref<1x80xi32, #tpu.memory_space<vmem>> -> memref<80xi32, #tpu.memory_space<vmem>>
        %dma_wait3A_204 = arith.constant 0 : i32
        %dma_wait3A_205 = arith.constant 0 : i32
        %dma_wait3A_206 = tpu.memref_slice %arg26[%dma_wait3A_204, %dma_wait3A_205] : memref<10240x128xf32, #tpu.memory_space<vmem_shared>> -> memref<10240x128xf32, #tpu.memory_space<vmem_shared>>
        tpu.wait_indirect_dma semaphore(%arg23 : memref<!tpu.dma_semaphore, #tpu.memory_space<semaphore_mem>>) src(%arg11 : memref<80x128xf32, #tpu.memory_space<vmem>>) dst(%dma_wait3A_206 : memref<10240x128xf32, #tpu.memory_space<vmem_shared>>)
      } else {
      }
      %add3A_172 = arith.constant 2 : i32
      %add3A_173 = arith.addi %add3A_166, %add3A_172 : i32
      %lt3A_174 = arith.constant 128 : i32
      %lt3A_175 = arith.cmpi slt, %add3A_173, %lt3A_174 : i32
      %convert_element_type3A_176 = arith.extui %lt3A_175 : i1 to i32
      %cond3A_177 = arith.constant 0 : i32
      %cond3A_178 = arith.cmpi ne, %convert_element_type3A_176, %cond3A_177 : i32
      scf.if %cond3A_178 {
        %add3A_200 = arith.constant 2 : i32
        %add3A_201 = arith.addi %add3A_166, %add3A_200 : i32
        %dma_start3A_202 = arith.constant 0 : i32
        %dma_start3A_203 = arith.constant 0 : i32
        %dma_start3A_204 = tpu.memref_slice %arg3[%add3A, %add3A_201, %dma_start3A_202, %dma_start3A_203] : memref<32x128x2x80xi32, #tpu.memory_space<hbm>> -> memref<1x1x2x80xi32, #tpu.memory_space<hbm>>
        %dma_start3A_205 = tpu.memref_squeeze %dma_start3A_204 : memref<1x1x2x80xi32, #tpu.memory_space<hbm>> -> memref<2x80xi32, #tpu.memory_space<hbm>>
        %dma_start3A_206 = arith.constant 0 : i32
        %dma_start3A_207 = arith.constant 0 : i32
        %dma_start3A_208 = tpu.memref_slice %arg3[%add3A, %add3A_201, %dma_start3A_206, %dma_start3A_207] : memref<32x128x2x80xi32, #tpu.memory_space<hbm>> -> memref<1x1x2x80xi32, #tpu.memory_space<hbm>>
        %dma_start3A_209 = tpu.memref_squeeze %dma_start3A_208 : memref<1x1x2x80xi32, #tpu.memory_space<hbm>> -> memref<2x80xi32, #tpu.memory_space<hbm>>
        tpu.enqueue_dma source(%dma_start3A_209 : memref<2x80xi32, #tpu.memory_space<hbm>>) target(%arg7 : memref<2x80xi32, #tpu.memory_space<vmem>>) target_semaphore(%arg15 : memref<!tpu.dma_semaphore, #tpu.memory_space<semaphore_mem>>)
      } else {
      }
      %add3A_179 = arith.constant 1 : i32
      %add3A_180 = arith.addi %add3A_166, %add3A_179 : i32
      %lt3A_181 = arith.constant 128 : i32
      %lt3A_182 = arith.cmpi slt, %add3A_180, %lt3A_181 : i32
      %convert_element_type3A_183 = arith.extui %lt3A_182 : i1 to i32
      %cond3A_184 = arith.constant 0 : i32
      %cond3A_185 = arith.cmpi ne, %convert_element_type3A_183, %cond3A_184 : i32
      scf.if %cond3A_185 {
        %add3A_200 = arith.constant 1 : i32
        %add3A_201 = arith.addi %add3A_166, %add3A_200 : i32
        %dma_wait3A_202 = arith.constant 0 : i32
        %dma_wait3A_203 = arith.constant 0 : i32
        %dma_wait3A_204 = tpu.memref_slice %arg3[%add3A, %add3A_201, %dma_wait3A_202, %dma_wait3A_203] : memref<32x128x2x80xi32, #tpu.memory_space<hbm>> -> memref<1x1x2x80xi32, #tpu.memory_space<hbm>>
        %dma_wait3A_205 = tpu.memref_squeeze %dma_wait3A_204 : memref<1x1x2x80xi32, #tpu.memory_space<hbm>> -> memref<2x80xi32, #tpu.memory_space<hbm>>
        %dma_wait3A_206 = arith.constant 0 : i32
        %dma_wait3A_207 = arith.constant 0 : i32
        %dma_wait3A_208 = tpu.memref_slice %arg3[%add3A, %add3A_201, %dma_wait3A_206, %dma_wait3A_207] : memref<32x128x2x80xi32, #tpu.memory_space<hbm>> -> memref<1x1x2x80xi32, #tpu.memory_space<hbm>>
        %dma_wait3A_209 = tpu.memref_squeeze %dma_wait3A_208 : memref<1x1x2x80xi32, #tpu.memory_space<hbm>> -> memref<2x80xi32, #tpu.memory_space<hbm>>
        tpu.wait_dma2 semaphore(%arg14 : memref<!tpu.dma_semaphore, #tpu.memory_space<semaphore_mem>>) src(%dma_wait3A_209 : memref<2x80xi32, #tpu.memory_space<hbm>>) dst(%arg6 : memref<2x80xi32, #tpu.memory_space<vmem>>)
        %dma_start3A_210 = arith.constant 0 : i32
        %dma_start3A_211 = arith.constant 0 : i32
        %dma_start3A_212 = tpu.memref_slice %arg6[%dma_start3A_210, %dma_start3A_211] : memref<2x80xi32, #tpu.memory_space<vmem>> -> memref<1x80xi32, #tpu.memory_space<vmem>>
        %dma_start3A_213 = tpu.memref_squeeze %dma_start3A_212 : memref<1x80xi32, #tpu.memory_space<vmem>> -> memref<80xi32, #tpu.memory_space<vmem>>
        %dma_start3A_214 = arith.constant 0 : i32
        %dma_start3A_215 = arith.constant 0 : i32
        %dma_start3A_216 = tpu.memref_slice %arg2[%dma_start3A_214, %dma_start3A_215] : memref<10240x128xf32, #tpu.memory_space<hbm>> -> memref<10240x128xf32, #tpu.memory_space<hbm>>
        tpu.enqueue_indirect_dma source(%dma_start3A_216 : memref<10240x128xf32, #tpu.memory_space<hbm>>) target(%arg10 : memref<80x128xf32, #tpu.memory_space<vmem>>) offsets(%dma_start3A_213 : memref<80xi32, #tpu.memory_space<vmem>>) semaphore(%arg18 : memref<!tpu.dma_semaphore, #tpu.memory_space<semaphore_mem>>)
      } else {
      }
      %dma_wait3A_186 = arith.constant 0 : i32
      %dma_wait3A_187 = arith.constant 0 : i32
      %dma_wait3A_188 = tpu.memref_slice %arg9[%dma_wait3A_186, %dma_wait3A_187] : memref<2x80xi32, #tpu.memory_space<vmem>> -> memref<1x80xi32, #tpu.memory_space<vmem>>
      %dma_wait3A_189 = tpu.memref_squeeze %dma_wait3A_188 : memref<1x80xi32, #tpu.memory_space<vmem>> -> memref<80xi32, #tpu.memory_space<vmem>>
      %dma_wait3A_190 = arith.constant 0 : i32
      %dma_wait3A_191 = arith.constant 0 : i32
      %dma_wait3A_192 = tpu.memref_slice %arg2[%dma_wait3A_190, %dma_wait3A_191] : memref<10240x128xf32, #tpu.memory_space<hbm>> -> memref<10240x128xf32, #tpu.memory_space<hbm>>
      tpu.wait_indirect_dma semaphore(%arg21 : memref<!tpu.dma_semaphore, #tpu.memory_space<semaphore_mem>>) src(%dma_wait3A_192 : memref<10240x128xf32, #tpu.memory_space<hbm>>) dst(%arg13 : memref<80x128xf32, #tpu.memory_space<vmem>>)
      %dma_start3A_193 = arith.constant 1 : i32
      %dma_start3A_194 = arith.constant 0 : i32
      %dma_start3A_195 = tpu.memref_slice %arg9[%dma_start3A_193, %dma_start3A_194] : memref<2x80xi32, #tpu.memory_space<vmem>> -> memref<1x80xi32, #tpu.memory_space<vmem>>
      %dma_start3A_196 = tpu.memref_squeeze %dma_start3A_195 : memref<1x80xi32, #tpu.memory_space<vmem>> -> memref<80xi32, #tpu.memory_space<vmem>>
      %dma_start3A_197 = arith.constant 0 : i32
      %dma_start3A_198 = arith.constant 0 : i32
      %dma_start3A_199 = tpu.memref_slice %arg26[%dma_start3A_197, %dma_start3A_198] : memref<10240x128xf32, #tpu.memory_space<vmem_shared>> -> memref<10240x128xf32, #tpu.memory_space<vmem_shared>>
      tpu.enqueue_indirect_dma source(%arg13 : memref<80x128xf32, #tpu.memory_space<vmem>>) target(%dma_start3A_199 : memref<10240x128xf32, #tpu.memory_space<vmem_shared>>) offsets(%dma_start3A_196 : memref<80xi32, #tpu.memory_space<vmem>>) semaphore(%arg25 : memref<!tpu.dma_semaphore, #tpu.memory_space<semaphore_mem>>) {add = true}
    }
    %scan3A_39 = arith.constant 32 : i32
    %dma_wait3A_40 = arith.constant 1 : i32
    %dma_wait3A_41 = arith.constant 0 : i32
    %dma_wait3A_42 = tpu.memref_slice %arg8[%dma_wait3A_40, %dma_wait3A_41] : memref<2x80xi32, #tpu.memory_space<vmem>> -> memref<1x80xi32, #tpu.memory_space<vmem>>
    %dma_wait3A_43 = tpu.memref_squeeze %dma_wait3A_42 : memref<1x80xi32, #tpu.memory_space<vmem>> -> memref<80xi32, #tpu.memory_space<vmem>>
    %dma_wait3A_44 = arith.constant 0 : i32
    %dma_wait3A_45 = arith.constant 0 : i32
    %dma_wait3A_46 = tpu.memref_slice %arg26[%dma_wait3A_44, %dma_wait3A_45] : memref<10240x128xf32, #tpu.memory_space<vmem_shared>> -> memref<10240x128xf32, #tpu.memory_space<vmem_shared>>
    tpu.wait_indirect_dma semaphore(%arg24 : memref<!tpu.dma_semaphore, #tpu.memory_space<semaphore_mem>>) src(%arg12 : memref<80x128xf32, #tpu.memory_space<vmem>>) dst(%dma_wait3A_46 : memref<10240x128xf32, #tpu.memory_space<vmem_shared>>)
    %dma_wait3A_47 = arith.constant 1 : i32
    %dma_wait3A_48 = arith.constant 0 : i32
    %dma_wait3A_49 = tpu.memref_slice %arg9[%dma_wait3A_47, %dma_wait3A_48] : memref<2x80xi32, #tpu.memory_space<vmem>> -> memref<1x80xi32, #tpu.memory_space<vmem>>
    %dma_wait3A_50 = tpu.memref_squeeze %dma_wait3A_49 : memref<1x80xi32, #tpu.memory_space<vmem>> -> memref<80xi32, #tpu.memory_space<vmem>>
    %dma_wait3A_51 = arith.constant 0 : i32
    %dma_wait3A_52 = arith.constant 0 : i32
    %dma_wait3A_53 = tpu.memref_slice %arg26[%dma_wait3A_51, %dma_wait3A_52] : memref<10240x128xf32, #tpu.memory_space<vmem_shared>> -> memref<10240x128xf32, #tpu.memory_space<vmem_shared>>
    tpu.wait_indirect_dma semaphore(%arg25 : memref<!tpu.dma_semaphore, #tpu.memory_space<semaphore_mem>>) src(%arg13 : memref<80x128xf32, #tpu.memory_space<vmem>>) dst(%dma_wait3A_53 : memref<10240x128xf32, #tpu.memory_space<vmem_shared>>)
    %barrier3A_54 = arith.constant 0 : index
    tpu.barrier barrier_id(%barrier3A_54)
    "tpu.region"() ({
      %run_scoped3A = tpu.sem_alloc : memref<!tpu.dma_semaphore, #tpu.memory_space<semaphore_mem>>
      %dma_start3A_55 = arith.constant 0 : i32
      %dma_start3A_56 = tpu.memref_slice %arg5[%arg0, %mul3A_2, %dma_start3A_55] : memref<2x10240x128xf32, #tpu.memory_space<hbm>> -> memref<1x640x128xf32, #tpu.memory_space<hbm>>
      %dma_start3A_57 = tpu.memref_squeeze %dma_start3A_56 : memref<1x640x128xf32, #tpu.memory_space<hbm>> -> memref<640x128xf32, #tpu.memory_space<hbm>>
      %dma_start3A_58 = arith.constant 0 : i32
      %dma_start3A_59 = tpu.memref_slice %arg26[%mul3A_2, %dma_start3A_58] : memref<10240x128xf32, #tpu.memory_space<vmem_shared>> -> memref<640x128xf32, #tpu.memory_space<vmem_shared>>
      tpu.enqueue_dma source(%dma_start3A_59 : memref<640x128xf32, #tpu.memory_space<vmem_shared>>) target(%dma_start3A_57 : memref<640x128xf32, #tpu.memory_space<hbm>>) target_semaphore(%run_scoped3A : memref<!tpu.dma_semaphore, #tpu.memory_space<semaphore_mem>>)
      %dma_wait3A_60 = arith.constant 0 : i32
      %dma_wait3A_61 = tpu.memref_slice %arg5[%arg0, %mul3A_2, %dma_wait3A_60] : memref<2x10240x128xf32, #tpu.memory_space<hbm>> -> memref<1x640x128xf32, #tpu.memory_space<hbm>>
      %dma_wait3A_62 = tpu.memref_squeeze %dma_wait3A_61 : memref<1x640x128xf32, #tpu.memory_space<hbm>> -> memref<640x128xf32, #tpu.memory_space<hbm>>
      %dma_wait3A_63 = arith.constant 0 : i32
      %dma_wait3A_64 = tpu.memref_slice %arg26[%mul3A_2, %dma_wait3A_63] : memref<10240x128xf32, #tpu.memory_space<vmem_shared>> -> memref<640x128xf32, #tpu.memory_space<vmem_shared>>
      tpu.wait_dma2 semaphore(%run_scoped3A : memref<!tpu.dma_semaphore, #tpu.memory_space<semaphore_mem>>) src(%dma_wait3A_64 : memref<640x128xf32, #tpu.memory_space<vmem_shared>>) dst(%dma_wait3A_62 : memref<640x128xf32, #tpu.memory_space<hbm>>)
      tpu.yield
    }) : () -> ()
    return
  }
}

#map = affine_map<(d0, d1) -> (0, 0, 0)>
#map1 = affine_map<(d0, d1) -> (0, 0, 0, 0)>
#map2 = affine_map<(d0, d1) -> (0, 0)>
module attributes {stable_mosaic.version = 14 : i64} {
  func.func @_agg_l1_body(%arg0: i32, %arg1: i32, %arg2: memref<2x10240x128xf32, #tpu.memory_space<hbm>>, %arg3: memref<16x256x2x80xi32, #tpu.memory_space<hbm>>, %arg4: memref<10240x128xf32, #tpu.memory_space<hbm>>, %arg5: memref<2x10240x128xf32, #tpu.memory_space<hbm>>, %arg6: memref<2x80xi32, #tpu.memory_space<vmem>>, %arg7: memref<2x80xi32, #tpu.memory_space<vmem>>, %arg8: memref<2x80xi32, #tpu.memory_space<vmem>>, %arg9: memref<2x80xi32, #tpu.memory_space<vmem>>, %arg10: memref<80x128xf32, #tpu.memory_space<vmem>>, %arg11: memref<80x128xf32, #tpu.memory_space<vmem>>, %arg12: memref<80x128xf32, #tpu.memory_space<vmem>>, %arg13: memref<80x128xf32, #tpu.memory_space<vmem>>, %arg14: memref<!tpu.dma_semaphore, #tpu.memory_space<semaphore_mem>>, %arg15: memref<!tpu.dma_semaphore, #tpu.memory_space<semaphore_mem>>, %arg16: memref<!tpu.dma_semaphore, #tpu.memory_space<semaphore_mem>>, %arg17: memref<!tpu.dma_semaphore, #tpu.memory_space<semaphore_mem>>, %arg18: memref<!tpu.dma_semaphore, #tpu.memory_space<semaphore_mem>>, %arg19: memref<!tpu.dma_semaphore, #tpu.memory_space<semaphore_mem>>, %arg20: memref<!tpu.dma_semaphore, #tpu.memory_space<semaphore_mem>>, %arg21: memref<!tpu.dma_semaphore, #tpu.memory_space<semaphore_mem>>, %arg22: memref<!tpu.dma_semaphore, #tpu.memory_space<semaphore_mem>>, %arg23: memref<!tpu.dma_semaphore, #tpu.memory_space<semaphore_mem>>, %arg24: memref<!tpu.dma_semaphore, #tpu.memory_space<semaphore_mem>>, %arg25: memref<!tpu.dma_semaphore, #tpu.memory_space<semaphore_mem>>, %arg26: memref<10240x128xf32, #tpu.memory_space<vmem_shared>>) attributes {dimension_semantics = [#tpu.dimension_semantics<core_parallel>, #tpu.dimension_semantics<subcore_parallel>], iteration_bounds = array<i64: 2, 16>, scalar_prefetch = 0 : i64, scratch_operands = 21 : i64, tpu.core_type = #tpu.core_type<sc_vector_subcore>, window_params = [{transform_indices = #map}, {transform_indices = #map1}, {transform_indices = #map2}, {transform_indices = #map}]} {
    %mul3A = arith.constant 640 : i32
    %mul3A_0 = arith.muli %arg1, %mul3A : i32
    "tpu.region"() ({
      %run_scoped3A = tpu.sem_alloc : memref<!tpu.dma_semaphore, #tpu.memory_space<semaphore_mem>>
      %dma_start3A_57 = arith.constant 0 : i32
      %dma_start3A_58 = tpu.memref_slice %arg26[%mul3A_0, %dma_start3A_57] : memref<10240x128xf32, #tpu.memory_space<vmem_shared>> -> memref<640x128xf32, #tpu.memory_space<vmem_shared>>
      %dma_start3A_59 = arith.constant 0 : i32
      %dma_start3A_60 = tpu.memref_slice %arg4[%mul3A_0, %dma_start3A_59] : memref<10240x128xf32, #tpu.memory_space<hbm>> -> memref<640x128xf32, #tpu.memory_space<hbm>>
      tpu.enqueue_dma source(%dma_start3A_60 : memref<640x128xf32, #tpu.memory_space<hbm>>) target(%dma_start3A_58 : memref<640x128xf32, #tpu.memory_space<vmem_shared>>) target_semaphore(%run_scoped3A : memref<!tpu.dma_semaphore, #tpu.memory_space<semaphore_mem>>)
      %dma_wait3A_61 = arith.constant 0 : i32
      %dma_wait3A_62 = tpu.memref_slice %arg26[%mul3A_0, %dma_wait3A_61] : memref<10240x128xf32, #tpu.memory_space<vmem_shared>> -> memref<640x128xf32, #tpu.memory_space<vmem_shared>>
      %dma_wait3A_63 = arith.constant 0 : i32
      %dma_wait3A_64 = tpu.memref_slice %arg4[%mul3A_0, %dma_wait3A_63] : memref<10240x128xf32, #tpu.memory_space<hbm>> -> memref<640x128xf32, #tpu.memory_space<hbm>>
      tpu.wait_dma2 semaphore(%run_scoped3A : memref<!tpu.dma_semaphore, #tpu.memory_space<semaphore_mem>>) src(%dma_wait3A_64 : memref<640x128xf32, #tpu.memory_space<hbm>>) dst(%dma_wait3A_62 : memref<640x128xf32, #tpu.memory_space<vmem_shared>>)
      tpu.yield
    }) : () -> ()
    %dma_start3A = arith.constant 0 : i32
    %dma_start3A_1 = arith.constant 0 : i32
    %dma_start3A_2 = arith.constant 0 : i32
    %dma_start3A_3 = tpu.memref_slice %arg3[%arg1, %dma_start3A, %dma_start3A_1, %dma_start3A_2] : memref<16x256x2x80xi32, #tpu.memory_space<hbm>> -> memref<1x1x2x80xi32, #tpu.memory_space<hbm>>
    %dma_start3A_4 = tpu.memref_squeeze %dma_start3A_3 : memref<1x1x2x80xi32, #tpu.memory_space<hbm>> -> memref<2x80xi32, #tpu.memory_space<hbm>>
    %dma_start3A_5 = arith.constant 0 : i32
    %dma_start3A_6 = arith.constant 0 : i32
    %dma_start3A_7 = tpu.memref_slice %arg3[%arg1, %dma_start3A, %dma_start3A_5, %dma_start3A_6] : memref<16x256x2x80xi32, #tpu.memory_space<hbm>> -> memref<1x1x2x80xi32, #tpu.memory_space<hbm>>
    %dma_start3A_8 = tpu.memref_squeeze %dma_start3A_7 : memref<1x1x2x80xi32, #tpu.memory_space<hbm>> -> memref<2x80xi32, #tpu.memory_space<hbm>>
    tpu.enqueue_dma source(%dma_start3A_8 : memref<2x80xi32, #tpu.memory_space<hbm>>) target(%arg6 : memref<2x80xi32, #tpu.memory_space<vmem>>) target_semaphore(%arg14 : memref<!tpu.dma_semaphore, #tpu.memory_space<semaphore_mem>>)
    %dma_start3A_9 = arith.constant 1 : i32
    %dma_start3A_10 = arith.constant 0 : i32
    %dma_start3A_11 = arith.constant 0 : i32
    %dma_start3A_12 = tpu.memref_slice %arg3[%arg1, %dma_start3A_9, %dma_start3A_10, %dma_start3A_11] : memref<16x256x2x80xi32, #tpu.memory_space<hbm>> -> memref<1x1x2x80xi32, #tpu.memory_space<hbm>>
    %dma_start3A_13 = tpu.memref_squeeze %dma_start3A_12 : memref<1x1x2x80xi32, #tpu.memory_space<hbm>> -> memref<2x80xi32, #tpu.memory_space<hbm>>
    %dma_start3A_14 = arith.constant 0 : i32
    %dma_start3A_15 = arith.constant 0 : i32
    %dma_start3A_16 = tpu.memref_slice %arg3[%arg1, %dma_start3A_9, %dma_start3A_14, %dma_start3A_15] : memref<16x256x2x80xi32, #tpu.memory_space<hbm>> -> memref<1x1x2x80xi32, #tpu.memory_space<hbm>>
    %dma_start3A_17 = tpu.memref_squeeze %dma_start3A_16 : memref<1x1x2x80xi32, #tpu.memory_space<hbm>> -> memref<2x80xi32, #tpu.memory_space<hbm>>
    tpu.enqueue_dma source(%dma_start3A_17 : memref<2x80xi32, #tpu.memory_space<hbm>>) target(%arg7 : memref<2x80xi32, #tpu.memory_space<vmem>>) target_semaphore(%arg15 : memref<!tpu.dma_semaphore, #tpu.memory_space<semaphore_mem>>)
    %dma_wait3A = arith.constant 0 : i32
    %dma_wait3A_18 = arith.constant 0 : i32
    %dma_wait3A_19 = arith.constant 0 : i32
    %dma_wait3A_20 = tpu.memref_slice %arg3[%arg1, %dma_wait3A, %dma_wait3A_18, %dma_wait3A_19] : memref<16x256x2x80xi32, #tpu.memory_space<hbm>> -> memref<1x1x2x80xi32, #tpu.memory_space<hbm>>
    %dma_wait3A_21 = tpu.memref_squeeze %dma_wait3A_20 : memref<1x1x2x80xi32, #tpu.memory_space<hbm>> -> memref<2x80xi32, #tpu.memory_space<hbm>>
    %dma_wait3A_22 = arith.constant 0 : i32
    %dma_wait3A_23 = arith.constant 0 : i32
    %dma_wait3A_24 = tpu.memref_slice %arg3[%arg1, %dma_wait3A, %dma_wait3A_22, %dma_wait3A_23] : memref<16x256x2x80xi32, #tpu.memory_space<hbm>> -> memref<1x1x2x80xi32, #tpu.memory_space<hbm>>
    %dma_wait3A_25 = tpu.memref_squeeze %dma_wait3A_24 : memref<1x1x2x80xi32, #tpu.memory_space<hbm>> -> memref<2x80xi32, #tpu.memory_space<hbm>>
    tpu.wait_dma2 semaphore(%arg14 : memref<!tpu.dma_semaphore, #tpu.memory_space<semaphore_mem>>) src(%dma_wait3A_25 : memref<2x80xi32, #tpu.memory_space<hbm>>) dst(%arg6 : memref<2x80xi32, #tpu.memory_space<vmem>>)
    %dma_start3A_26 = arith.constant 0 : i32
    %dma_start3A_27 = arith.constant 0 : i32
    %dma_start3A_28 = tpu.memref_slice %arg6[%dma_start3A_26, %dma_start3A_27] : memref<2x80xi32, #tpu.memory_space<vmem>> -> memref<1x80xi32, #tpu.memory_space<vmem>>
    %dma_start3A_29 = tpu.memref_squeeze %dma_start3A_28 : memref<1x80xi32, #tpu.memory_space<vmem>> -> memref<80xi32, #tpu.memory_space<vmem>>
    %dma_start3A_30 = arith.constant 0 : i32
    %dma_start3A_31 = arith.constant 0 : i32
    %dma_start3A_32 = tpu.memref_slice %arg2[%arg0, %dma_start3A_30, %dma_start3A_31] : memref<2x10240x128xf32, #tpu.memory_space<hbm>> -> memref<1x10240x128xf32, #tpu.memory_space<hbm>>
    %dma_start3A_33 = tpu.memref_squeeze %dma_start3A_32 : memref<1x10240x128xf32, #tpu.memory_space<hbm>> -> memref<10240x128xf32, #tpu.memory_space<hbm>>
    %dma_start3A_34 = arith.constant 0 : i32
    %dma_start3A_35 = arith.constant 0 : i32
    %dma_start3A_36 = tpu.memref_slice %dma_start3A_33[%dma_start3A_34, %dma_start3A_35] : memref<10240x128xf32, #tpu.memory_space<hbm>> -> memref<10240x128xf32, #tpu.memory_space<hbm>>
    tpu.enqueue_indirect_dma source(%dma_start3A_36 : memref<10240x128xf32, #tpu.memory_space<hbm>>) target(%arg10 : memref<80x128xf32, #tpu.memory_space<vmem>>) offsets(%dma_start3A_29 : memref<80xi32, #tpu.memory_space<vmem>>) semaphore(%arg18 : memref<!tpu.dma_semaphore, #tpu.memory_space<semaphore_mem>>)
    %barrier3A = arith.constant 0 : index
    tpu.barrier barrier_id(%barrier3A)
    %scan3A = arith.constant 0 : i32
    %scan3A_37 = arith.constant 0 : i32
    %scan3A_38 = arith.constant 64 : i32
    %scan3A_39 = arith.addi %scan3A_37, %scan3A_38 : i32
    %scan3A_40 = arith.constant 1 : i32
    scf.for %scan3A_57 = %scan3A_37 to %scan3A_39 step %scan3A_40  : i32 {
      %mul3A_58 = arith.constant 4 : i32
      %mul3A_59 = arith.muli %scan3A_57, %mul3A_58 : i32
      %add3A = arith.constant 0 : i32
      %add3A_60 = arith.addi %mul3A_59, %add3A : i32
      %ge3A = arith.constant 2 : i32
      %ge3A_61 = arith.cmpi sge, %add3A_60, %ge3A : i32
      %convert_element_type3A = arith.extui %ge3A_61 : i1 to i32
      %cond3A = arith.constant 0 : i32
      %cond3A_62 = arith.cmpi ne, %convert_element_type3A, %cond3A : i32
      scf.if %cond3A_62 {
        %dma_wait3A_217 = arith.constant 1 : i32
        %dma_wait3A_218 = arith.constant 0 : i32
        %dma_wait3A_219 = tpu.memref_slice %arg8[%dma_wait3A_217, %dma_wait3A_218] : memref<2x80xi32, #tpu.memory_space<vmem>> -> memref<1x80xi32, #tpu.memory_space<vmem>>
        %dma_wait3A_220 = tpu.memref_squeeze %dma_wait3A_219 : memref<1x80xi32, #tpu.memory_space<vmem>> -> memref<80xi32, #tpu.memory_space<vmem>>
        %dma_wait3A_221 = arith.constant 0 : i32
        %dma_wait3A_222 = arith.constant 0 : i32
        %dma_wait3A_223 = tpu.memref_slice %arg26[%dma_wait3A_221, %dma_wait3A_222] : memref<10240x128xf32, #tpu.memory_space<vmem_shared>> -> memref<10240x128xf32, #tpu.memory_space<vmem_shared>>
        tpu.wait_indirect_dma semaphore(%arg24 : memref<!tpu.dma_semaphore, #tpu.memory_space<semaphore_mem>>) src(%arg12 : memref<80x128xf32, #tpu.memory_space<vmem>>) dst(%dma_wait3A_223 : memref<10240x128xf32, #tpu.memory_space<vmem_shared>>)
      } else {
      }
      %add3A_63 = arith.constant 2 : i32
      %add3A_64 = arith.addi %add3A_60, %add3A_63 : i32
      %lt3A = arith.constant 256 : i32
      %lt3A_65 = arith.cmpi slt, %add3A_64, %lt3A : i32
      %convert_element_type3A_66 = arith.extui %lt3A_65 : i1 to i32
      %cond3A_67 = arith.constant 0 : i32
      %cond3A_68 = arith.cmpi ne, %convert_element_type3A_66, %cond3A_67 : i32
      scf.if %cond3A_68 {
        %add3A_217 = arith.constant 2 : i32
        %add3A_218 = arith.addi %add3A_60, %add3A_217 : i32
        %dma_start3A_219 = arith.constant 0 : i32
        %dma_start3A_220 = arith.constant 0 : i32
        %dma_start3A_221 = tpu.memref_slice %arg3[%arg1, %add3A_218, %dma_start3A_219, %dma_start3A_220] : memref<16x256x2x80xi32, #tpu.memory_space<hbm>> -> memref<1x1x2x80xi32, #tpu.memory_space<hbm>>
        %dma_start3A_222 = tpu.memref_squeeze %dma_start3A_221 : memref<1x1x2x80xi32, #tpu.memory_space<hbm>> -> memref<2x80xi32, #tpu.memory_space<hbm>>
        %dma_start3A_223 = arith.constant 0 : i32
        %dma_start3A_224 = arith.constant 0 : i32
        %dma_start3A_225 = tpu.memref_slice %arg3[%arg1, %add3A_218, %dma_start3A_223, %dma_start3A_224] : memref<16x256x2x80xi32, #tpu.memory_space<hbm>> -> memref<1x1x2x80xi32, #tpu.memory_space<hbm>>
        %dma_start3A_226 = tpu.memref_squeeze %dma_start3A_225 : memref<1x1x2x80xi32, #tpu.memory_space<hbm>> -> memref<2x80xi32, #tpu.memory_space<hbm>>
        tpu.enqueue_dma source(%dma_start3A_226 : memref<2x80xi32, #tpu.memory_space<hbm>>) target(%arg8 : memref<2x80xi32, #tpu.memory_space<vmem>>) target_semaphore(%arg16 : memref<!tpu.dma_semaphore, #tpu.memory_space<semaphore_mem>>)
      } else {
      }
      %add3A_69 = arith.constant 1 : i32
      %add3A_70 = arith.addi %add3A_60, %add3A_69 : i32
      %lt3A_71 = arith.constant 256 : i32
      %lt3A_72 = arith.cmpi slt, %add3A_70, %lt3A_71 : i32
      %convert_element_type3A_73 = arith.extui %lt3A_72 : i1 to i32
      %cond3A_74 = arith.constant 0 : i32
      %cond3A_75 = arith.cmpi ne, %convert_element_type3A_73, %cond3A_74 : i32
      scf.if %cond3A_75 {
        %add3A_217 = arith.constant 1 : i32
        %add3A_218 = arith.addi %add3A_60, %add3A_217 : i32
        %dma_wait3A_219 = arith.constant 0 : i32
        %dma_wait3A_220 = arith.constant 0 : i32
        %dma_wait3A_221 = tpu.memref_slice %arg3[%arg1, %add3A_218, %dma_wait3A_219, %dma_wait3A_220] : memref<16x256x2x80xi32, #tpu.memory_space<hbm>> -> memref<1x1x2x80xi32, #tpu.memory_space<hbm>>
        %dma_wait3A_222 = tpu.memref_squeeze %dma_wait3A_221 : memref<1x1x2x80xi32, #tpu.memory_space<hbm>> -> memref<2x80xi32, #tpu.memory_space<hbm>>
        %dma_wait3A_223 = arith.constant 0 : i32
        %dma_wait3A_224 = arith.constant 0 : i32
        %dma_wait3A_225 = tpu.memref_slice %arg3[%arg1, %add3A_218, %dma_wait3A_223, %dma_wait3A_224] : memref<16x256x2x80xi32, #tpu.memory_space<hbm>> -> memref<1x1x2x80xi32, #tpu.memory_space<hbm>>
        %dma_wait3A_226 = tpu.memref_squeeze %dma_wait3A_225 : memref<1x1x2x80xi32, #tpu.memory_space<hbm>> -> memref<2x80xi32, #tpu.memory_space<hbm>>
        tpu.wait_dma2 semaphore(%arg15 : memref<!tpu.dma_semaphore, #tpu.memory_space<semaphore_mem>>) src(%dma_wait3A_226 : memref<2x80xi32, #tpu.memory_space<hbm>>) dst(%arg7 : memref<2x80xi32, #tpu.memory_space<vmem>>)
        %dma_start3A_227 = arith.constant 0 : i32
        %dma_start3A_228 = arith.constant 0 : i32
        %dma_start3A_229 = tpu.memref_slice %arg7[%dma_start3A_227, %dma_start3A_228] : memref<2x80xi32, #tpu.memory_space<vmem>> -> memref<1x80xi32, #tpu.memory_space<vmem>>
        %dma_start3A_230 = tpu.memref_squeeze %dma_start3A_229 : memref<1x80xi32, #tpu.memory_space<vmem>> -> memref<80xi32, #tpu.memory_space<vmem>>
        %dma_start3A_231 = arith.constant 0 : i32
        %dma_start3A_232 = arith.constant 0 : i32
        %dma_start3A_233 = tpu.memref_slice %arg2[%arg0, %dma_start3A_231, %dma_start3A_232] : memref<2x10240x128xf32, #tpu.memory_space<hbm>> -> memref<1x10240x128xf32, #tpu.memory_space<hbm>>
        %dma_start3A_234 = tpu.memref_squeeze %dma_start3A_233 : memref<1x10240x128xf32, #tpu.memory_space<hbm>> -> memref<10240x128xf32, #tpu.memory_space<hbm>>
        %dma_start3A_235 = arith.constant 0 : i32
        %dma_start3A_236 = arith.constant 0 : i32
        %dma_start3A_237 = tpu.memref_slice %dma_start3A_234[%dma_start3A_235, %dma_start3A_236] : memref<10240x128xf32, #tpu.memory_space<hbm>> -> memref<10240x128xf32, #tpu.memory_space<hbm>>
        tpu.enqueue_indirect_dma source(%dma_start3A_237 : memref<10240x128xf32, #tpu.memory_space<hbm>>) target(%arg11 : memref<80x128xf32, #tpu.memory_space<vmem>>) offsets(%dma_start3A_230 : memref<80xi32, #tpu.memory_space<vmem>>) semaphore(%arg19 : memref<!tpu.dma_semaphore, #tpu.memory_space<semaphore_mem>>)
      } else {
      }
      %dma_wait3A_76 = arith.constant 0 : i32
      %dma_wait3A_77 = arith.constant 0 : i32
      %dma_wait3A_78 = tpu.memref_slice %arg6[%dma_wait3A_76, %dma_wait3A_77] : memref<2x80xi32, #tpu.memory_space<vmem>> -> memref<1x80xi32, #tpu.memory_space<vmem>>
      %dma_wait3A_79 = tpu.memref_squeeze %dma_wait3A_78 : memref<1x80xi32, #tpu.memory_space<vmem>> -> memref<80xi32, #tpu.memory_space<vmem>>
      %dma_wait3A_80 = arith.constant 0 : i32
      %dma_wait3A_81 = arith.constant 0 : i32
      %dma_wait3A_82 = tpu.memref_slice %arg2[%arg0, %dma_wait3A_80, %dma_wait3A_81] : memref<2x10240x128xf32, #tpu.memory_space<hbm>> -> memref<1x10240x128xf32, #tpu.memory_space<hbm>>
      %dma_wait3A_83 = tpu.memref_squeeze %dma_wait3A_82 : memref<1x10240x128xf32, #tpu.memory_space<hbm>> -> memref<10240x128xf32, #tpu.memory_space<hbm>>
      %dma_wait3A_84 = arith.constant 0 : i32
      %dma_wait3A_85 = arith.constant 0 : i32
      %dma_wait3A_86 = tpu.memref_slice %dma_wait3A_83[%dma_wait3A_84, %dma_wait3A_85] : memref<10240x128xf32, #tpu.memory_space<hbm>> -> memref<10240x128xf32, #tpu.memory_space<hbm>>
      tpu.wait_indirect_dma semaphore(%arg18 : memref<!tpu.dma_semaphore, #tpu.memory_space<semaphore_mem>>) src(%dma_wait3A_86 : memref<10240x128xf32, #tpu.memory_space<hbm>>) dst(%arg10 : memref<80x128xf32, #tpu.memory_space<vmem>>)
      %dma_start3A_87 = arith.constant 1 : i32
      %dma_start3A_88 = arith.constant 0 : i32
      %dma_start3A_89 = tpu.memref_slice %arg6[%dma_start3A_87, %dma_start3A_88] : memref<2x80xi32, #tpu.memory_space<vmem>> -> memref<1x80xi32, #tpu.memory_space<vmem>>
      %dma_start3A_90 = tpu.memref_squeeze %dma_start3A_89 : memref<1x80xi32, #tpu.memory_space<vmem>> -> memref<80xi32, #tpu.memory_space<vmem>>
      %dma_start3A_91 = arith.constant 0 : i32
      %dma_start3A_92 = arith.constant 0 : i32
      %dma_start3A_93 = tpu.memref_slice %arg26[%dma_start3A_91, %dma_start3A_92] : memref<10240x128xf32, #tpu.memory_space<vmem_shared>> -> memref<10240x128xf32, #tpu.memory_space<vmem_shared>>
      tpu.enqueue_indirect_dma source(%arg10 : memref<80x128xf32, #tpu.memory_space<vmem>>) target(%dma_start3A_93 : memref<10240x128xf32, #tpu.memory_space<vmem_shared>>) offsets(%dma_start3A_90 : memref<80xi32, #tpu.memory_space<vmem>>) semaphore(%arg22 : memref<!tpu.dma_semaphore, #tpu.memory_space<semaphore_mem>>) {add = true}
      %mul3A_94 = arith.constant 4 : i32
      %mul3A_95 = arith.muli %scan3A_57, %mul3A_94 : i32
      %add3A_96 = arith.constant 1 : i32
      %add3A_97 = arith.addi %mul3A_95, %add3A_96 : i32
      %ge3A_98 = arith.constant 2 : i32
      %ge3A_99 = arith.cmpi sge, %add3A_97, %ge3A_98 : i32
      %convert_element_type3A_100 = arith.extui %ge3A_99 : i1 to i32
      %cond3A_101 = arith.constant 0 : i32
      %cond3A_102 = arith.cmpi ne, %convert_element_type3A_100, %cond3A_101 : i32
      scf.if %cond3A_102 {
        %dma_wait3A_217 = arith.constant 1 : i32
        %dma_wait3A_218 = arith.constant 0 : i32
        %dma_wait3A_219 = tpu.memref_slice %arg9[%dma_wait3A_217, %dma_wait3A_218] : memref<2x80xi32, #tpu.memory_space<vmem>> -> memref<1x80xi32, #tpu.memory_space<vmem>>
        %dma_wait3A_220 = tpu.memref_squeeze %dma_wait3A_219 : memref<1x80xi32, #tpu.memory_space<vmem>> -> memref<80xi32, #tpu.memory_space<vmem>>
        %dma_wait3A_221 = arith.constant 0 : i32
        %dma_wait3A_222 = arith.constant 0 : i32
        %dma_wait3A_223 = tpu.memref_slice %arg26[%dma_wait3A_221, %dma_wait3A_222] : memref<10240x128xf32, #tpu.memory_space<vmem_shared>> -> memref<10240x128xf32, #tpu.memory_space<vmem_shared>>
        tpu.wait_indirect_dma semaphore(%arg25 : memref<!tpu.dma_semaphore, #tpu.memory_space<semaphore_mem>>) src(%arg13 : memref<80x128xf32, #tpu.memory_space<vmem>>) dst(%dma_wait3A_223 : memref<10240x128xf32, #tpu.memory_space<vmem_shared>>)
      } else {
      }
      %add3A_103 = arith.constant 2 : i32
      %add3A_104 = arith.addi %add3A_97, %add3A_103 : i32
      %lt3A_105 = arith.constant 256 : i32
      %lt3A_106 = arith.cmpi slt, %add3A_104, %lt3A_105 : i32
      %convert_element_type3A_107 = arith.extui %lt3A_106 : i1 to i32
      %cond3A_108 = arith.constant 0 : i32
      %cond3A_109 = arith.cmpi ne, %convert_element_type3A_107, %cond3A_108 : i32
      scf.if %cond3A_109 {
        %add3A_217 = arith.constant 2 : i32
        %add3A_218 = arith.addi %add3A_97, %add3A_217 : i32
        %dma_start3A_219 = arith.constant 0 : i32
        %dma_start3A_220 = arith.constant 0 : i32
        %dma_start3A_221 = tpu.memref_slice %arg3[%arg1, %add3A_218, %dma_start3A_219, %dma_start3A_220] : memref<16x256x2x80xi32, #tpu.memory_space<hbm>> -> memref<1x1x2x80xi32, #tpu.memory_space<hbm>>
        %dma_start3A_222 = tpu.memref_squeeze %dma_start3A_221 : memref<1x1x2x80xi32, #tpu.memory_space<hbm>> -> memref<2x80xi32, #tpu.memory_space<hbm>>
        %dma_start3A_223 = arith.constant 0 : i32
        %dma_start3A_224 = arith.constant 0 : i32
        %dma_start3A_225 = tpu.memref_slice %arg3[%arg1, %add3A_218, %dma_start3A_223, %dma_start3A_224] : memref<16x256x2x80xi32, #tpu.memory_space<hbm>> -> memref<1x1x2x80xi32, #tpu.memory_space<hbm>>
        %dma_start3A_226 = tpu.memref_squeeze %dma_start3A_225 : memref<1x1x2x80xi32, #tpu.memory_space<hbm>> -> memref<2x80xi32, #tpu.memory_space<hbm>>
        tpu.enqueue_dma source(%dma_start3A_226 : memref<2x80xi32, #tpu.memory_space<hbm>>) target(%arg9 : memref<2x80xi32, #tpu.memory_space<vmem>>) target_semaphore(%arg17 : memref<!tpu.dma_semaphore, #tpu.memory_space<semaphore_mem>>)
      } else {
      }
      %add3A_110 = arith.constant 1 : i32
      %add3A_111 = arith.addi %add3A_97, %add3A_110 : i32
      %lt3A_112 = arith.constant 256 : i32
      %lt3A_113 = arith.cmpi slt, %add3A_111, %lt3A_112 : i32
      %convert_element_type3A_114 = arith.extui %lt3A_113 : i1 to i32
      %cond3A_115 = arith.constant 0 : i32
      %cond3A_116 = arith.cmpi ne, %convert_element_type3A_114, %cond3A_115 : i32
      scf.if %cond3A_116 {
        %add3A_217 = arith.constant 1 : i32
        %add3A_218 = arith.addi %add3A_97, %add3A_217 : i32
        %dma_wait3A_219 = arith.constant 0 : i32
        %dma_wait3A_220 = arith.constant 0 : i32
        %dma_wait3A_221 = tpu.memref_slice %arg3[%arg1, %add3A_218, %dma_wait3A_219, %dma_wait3A_220] : memref<16x256x2x80xi32, #tpu.memory_space<hbm>> -> memref<1x1x2x80xi32, #tpu.memory_space<hbm>>
        %dma_wait3A_222 = tpu.memref_squeeze %dma_wait3A_221 : memref<1x1x2x80xi32, #tpu.memory_space<hbm>> -> memref<2x80xi32, #tpu.memory_space<hbm>>
        %dma_wait3A_223 = arith.constant 0 : i32
        %dma_wait3A_224 = arith.constant 0 : i32
        %dma_wait3A_225 = tpu.memref_slice %arg3[%arg1, %add3A_218, %dma_wait3A_223, %dma_wait3A_224] : memref<16x256x2x80xi32, #tpu.memory_space<hbm>> -> memref<1x1x2x80xi32, #tpu.memory_space<hbm>>
        %dma_wait3A_226 = tpu.memref_squeeze %dma_wait3A_225 : memref<1x1x2x80xi32, #tpu.memory_space<hbm>> -> memref<2x80xi32, #tpu.memory_space<hbm>>
        tpu.wait_dma2 semaphore(%arg16 : memref<!tpu.dma_semaphore, #tpu.memory_space<semaphore_mem>>) src(%dma_wait3A_226 : memref<2x80xi32, #tpu.memory_space<hbm>>) dst(%arg8 : memref<2x80xi32, #tpu.memory_space<vmem>>)
        %dma_start3A_227 = arith.constant 0 : i32
        %dma_start3A_228 = arith.constant 0 : i32
        %dma_start3A_229 = tpu.memref_slice %arg8[%dma_start3A_227, %dma_start3A_228] : memref<2x80xi32, #tpu.memory_space<vmem>> -> memref<1x80xi32, #tpu.memory_space<vmem>>
        %dma_start3A_230 = tpu.memref_squeeze %dma_start3A_229 : memref<1x80xi32, #tpu.memory_space<vmem>> -> memref<80xi32, #tpu.memory_space<vmem>>
        %dma_start3A_231 = arith.constant 0 : i32
        %dma_start3A_232 = arith.constant 0 : i32
        %dma_start3A_233 = tpu.memref_slice %arg2[%arg0, %dma_start3A_231, %dma_start3A_232] : memref<2x10240x128xf32, #tpu.memory_space<hbm>> -> memref<1x10240x128xf32, #tpu.memory_space<hbm>>
        %dma_start3A_234 = tpu.memref_squeeze %dma_start3A_233 : memref<1x10240x128xf32, #tpu.memory_space<hbm>> -> memref<10240x128xf32, #tpu.memory_space<hbm>>
        %dma_start3A_235 = arith.constant 0 : i32
        %dma_start3A_236 = arith.constant 0 : i32
        %dma_start3A_237 = tpu.memref_slice %dma_start3A_234[%dma_start3A_235, %dma_start3A_236] : memref<10240x128xf32, #tpu.memory_space<hbm>> -> memref<10240x128xf32, #tpu.memory_space<hbm>>
        tpu.enqueue_indirect_dma source(%dma_start3A_237 : memref<10240x128xf32, #tpu.memory_space<hbm>>) target(%arg12 : memref<80x128xf32, #tpu.memory_space<vmem>>) offsets(%dma_start3A_230 : memref<80xi32, #tpu.memory_space<vmem>>) semaphore(%arg20 : memref<!tpu.dma_semaphore, #tpu.memory_space<semaphore_mem>>)
      } else {
      }
      %dma_wait3A_117 = arith.constant 0 : i32
      %dma_wait3A_118 = arith.constant 0 : i32
      %dma_wait3A_119 = tpu.memref_slice %arg7[%dma_wait3A_117, %dma_wait3A_118] : memref<2x80xi32, #tpu.memory_space<vmem>> -> memref<1x80xi32, #tpu.memory_space<vmem>>
      %dma_wait3A_120 = tpu.memref_squeeze %dma_wait3A_119 : memref<1x80xi32, #tpu.memory_space<vmem>> -> memref<80xi32, #tpu.memory_space<vmem>>
      %dma_wait3A_121 = arith.constant 0 : i32
      %dma_wait3A_122 = arith.constant 0 : i32
      %dma_wait3A_123 = tpu.memref_slice %arg2[%arg0, %dma_wait3A_121, %dma_wait3A_122] : memref<2x10240x128xf32, #tpu.memory_space<hbm>> -> memref<1x10240x128xf32, #tpu.memory_space<hbm>>
      %dma_wait3A_124 = tpu.memref_squeeze %dma_wait3A_123 : memref<1x10240x128xf32, #tpu.memory_space<hbm>> -> memref<10240x128xf32, #tpu.memory_space<hbm>>
      %dma_wait3A_125 = arith.constant 0 : i32
      %dma_wait3A_126 = arith.constant 0 : i32
      %dma_wait3A_127 = tpu.memref_slice %dma_wait3A_124[%dma_wait3A_125, %dma_wait3A_126] : memref<10240x128xf32, #tpu.memory_space<hbm>> -> memref<10240x128xf32, #tpu.memory_space<hbm>>
      tpu.wait_indirect_dma semaphore(%arg19 : memref<!tpu.dma_semaphore, #tpu.memory_space<semaphore_mem>>) src(%dma_wait3A_127 : memref<10240x128xf32, #tpu.memory_space<hbm>>) dst(%arg11 : memref<80x128xf32, #tpu.memory_space<vmem>>)
      %dma_start3A_128 = arith.constant 1 : i32
      %dma_start3A_129 = arith.constant 0 : i32
      %dma_start3A_130 = tpu.memref_slice %arg7[%dma_start3A_128, %dma_start3A_129] : memref<2x80xi32, #tpu.memory_space<vmem>> -> memref<1x80xi32, #tpu.memory_space<vmem>>
      %dma_start3A_131 = tpu.memref_squeeze %dma_start3A_130 : memref<1x80xi32, #tpu.memory_space<vmem>> -> memref<80xi32, #tpu.memory_space<vmem>>
      %dma_start3A_132 = arith.constant 0 : i32
      %dma_start3A_133 = arith.constant 0 : i32
      %dma_start3A_134 = tpu.memref_slice %arg26[%dma_start3A_132, %dma_start3A_133] : memref<10240x128xf32, #tpu.memory_space<vmem_shared>> -> memref<10240x128xf32, #tpu.memory_space<vmem_shared>>
      tpu.enqueue_indirect_dma source(%arg11 : memref<80x128xf32, #tpu.memory_space<vmem>>) target(%dma_start3A_134 : memref<10240x128xf32, #tpu.memory_space<vmem_shared>>) offsets(%dma_start3A_131 : memref<80xi32, #tpu.memory_space<vmem>>) semaphore(%arg23 : memref<!tpu.dma_semaphore, #tpu.memory_space<semaphore_mem>>) {add = true}
      %mul3A_135 = arith.constant 4 : i32
      %mul3A_136 = arith.muli %scan3A_57, %mul3A_135 : i32
      %add3A_137 = arith.constant 2 : i32
      %add3A_138 = arith.addi %mul3A_136, %add3A_137 : i32
      %ge3A_139 = arith.constant 2 : i32
      %ge3A_140 = arith.cmpi sge, %add3A_138, %ge3A_139 : i32
      %convert_element_type3A_141 = arith.extui %ge3A_140 : i1 to i32
      %cond3A_142 = arith.constant 0 : i32
      %cond3A_143 = arith.cmpi ne, %convert_element_type3A_141, %cond3A_142 : i32
      scf.if %cond3A_143 {
        %dma_wait3A_217 = arith.constant 1 : i32
        %dma_wait3A_218 = arith.constant 0 : i32
        %dma_wait3A_219 = tpu.memref_slice %arg6[%dma_wait3A_217, %dma_wait3A_218] : memref<2x80xi32, #tpu.memory_space<vmem>> -> memref<1x80xi32, #tpu.memory_space<vmem>>
        %dma_wait3A_220 = tpu.memref_squeeze %dma_wait3A_219 : memref<1x80xi32, #tpu.memory_space<vmem>> -> memref<80xi32, #tpu.memory_space<vmem>>
        %dma_wait3A_221 = arith.constant 0 : i32
        %dma_wait3A_222 = arith.constant 0 : i32
        %dma_wait3A_223 = tpu.memref_slice %arg26[%dma_wait3A_221, %dma_wait3A_222] : memref<10240x128xf32, #tpu.memory_space<vmem_shared>> -> memref<10240x128xf32, #tpu.memory_space<vmem_shared>>
        tpu.wait_indirect_dma semaphore(%arg22 : memref<!tpu.dma_semaphore, #tpu.memory_space<semaphore_mem>>) src(%arg10 : memref<80x128xf32, #tpu.memory_space<vmem>>) dst(%dma_wait3A_223 : memref<10240x128xf32, #tpu.memory_space<vmem_shared>>)
      } else {
      }
      %add3A_144 = arith.constant 2 : i32
      %add3A_145 = arith.addi %add3A_138, %add3A_144 : i32
      %lt3A_146 = arith.constant 256 : i32
      %lt3A_147 = arith.cmpi slt, %add3A_145, %lt3A_146 : i32
      %convert_element_type3A_148 = arith.extui %lt3A_147 : i1 to i32
      %cond3A_149 = arith.constant 0 : i32
      %cond3A_150 = arith.cmpi ne, %convert_element_type3A_148, %cond3A_149 : i32
      scf.if %cond3A_150 {
        %add3A_217 = arith.constant 2 : i32
        %add3A_218 = arith.addi %add3A_138, %add3A_217 : i32
        %dma_start3A_219 = arith.constant 0 : i32
        %dma_start3A_220 = arith.constant 0 : i32
        %dma_start3A_221 = tpu.memref_slice %arg3[%arg1, %add3A_218, %dma_start3A_219, %dma_start3A_220] : memref<16x256x2x80xi32, #tpu.memory_space<hbm>> -> memref<1x1x2x80xi32, #tpu.memory_space<hbm>>
        %dma_start3A_222 = tpu.memref_squeeze %dma_start3A_221 : memref<1x1x2x80xi32, #tpu.memory_space<hbm>> -> memref<2x80xi32, #tpu.memory_space<hbm>>
        %dma_start3A_223 = arith.constant 0 : i32
        %dma_start3A_224 = arith.constant 0 : i32
        %dma_start3A_225 = tpu.memref_slice %arg3[%arg1, %add3A_218, %dma_start3A_223, %dma_start3A_224] : memref<16x256x2x80xi32, #tpu.memory_space<hbm>> -> memref<1x1x2x80xi32, #tpu.memory_space<hbm>>
        %dma_start3A_226 = tpu.memref_squeeze %dma_start3A_225 : memref<1x1x2x80xi32, #tpu.memory_space<hbm>> -> memref<2x80xi32, #tpu.memory_space<hbm>>
        tpu.enqueue_dma source(%dma_start3A_226 : memref<2x80xi32, #tpu.memory_space<hbm>>) target(%arg6 : memref<2x80xi32, #tpu.memory_space<vmem>>) target_semaphore(%arg14 : memref<!tpu.dma_semaphore, #tpu.memory_space<semaphore_mem>>)
      } else {
      }
      %add3A_151 = arith.constant 1 : i32
      %add3A_152 = arith.addi %add3A_138, %add3A_151 : i32
      %lt3A_153 = arith.constant 256 : i32
      %lt3A_154 = arith.cmpi slt, %add3A_152, %lt3A_153 : i32
      %convert_element_type3A_155 = arith.extui %lt3A_154 : i1 to i32
      %cond3A_156 = arith.constant 0 : i32
      %cond3A_157 = arith.cmpi ne, %convert_element_type3A_155, %cond3A_156 : i32
      scf.if %cond3A_157 {
        %add3A_217 = arith.constant 1 : i32
        %add3A_218 = arith.addi %add3A_138, %add3A_217 : i32
        %dma_wait3A_219 = arith.constant 0 : i32
        %dma_wait3A_220 = arith.constant 0 : i32
        %dma_wait3A_221 = tpu.memref_slice %arg3[%arg1, %add3A_218, %dma_wait3A_219, %dma_wait3A_220] : memref<16x256x2x80xi32, #tpu.memory_space<hbm>> -> memref<1x1x2x80xi32, #tpu.memory_space<hbm>>
        %dma_wait3A_222 = tpu.memref_squeeze %dma_wait3A_221 : memref<1x1x2x80xi32, #tpu.memory_space<hbm>> -> memref<2x80xi32, #tpu.memory_space<hbm>>
        %dma_wait3A_223 = arith.constant 0 : i32
        %dma_wait3A_224 = arith.constant 0 : i32
        %dma_wait3A_225 = tpu.memref_slice %arg3[%arg1, %add3A_218, %dma_wait3A_223, %dma_wait3A_224] : memref<16x256x2x80xi32, #tpu.memory_space<hbm>> -> memref<1x1x2x80xi32, #tpu.memory_space<hbm>>
        %dma_wait3A_226 = tpu.memref_squeeze %dma_wait3A_225 : memref<1x1x2x80xi32, #tpu.memory_space<hbm>> -> memref<2x80xi32, #tpu.memory_space<hbm>>
        tpu.wait_dma2 semaphore(%arg17 : memref<!tpu.dma_semaphore, #tpu.memory_space<semaphore_mem>>) src(%dma_wait3A_226 : memref<2x80xi32, #tpu.memory_space<hbm>>) dst(%arg9 : memref<2x80xi32, #tpu.memory_space<vmem>>)
        %dma_start3A_227 = arith.constant 0 : i32
        %dma_start3A_228 = arith.constant 0 : i32
        %dma_start3A_229 = tpu.memref_slice %arg9[%dma_start3A_227, %dma_start3A_228] : memref<2x80xi32, #tpu.memory_space<vmem>> -> memref<1x80xi32, #tpu.memory_space<vmem>>
        %dma_start3A_230 = tpu.memref_squeeze %dma_start3A_229 : memref<1x80xi32, #tpu.memory_space<vmem>> -> memref<80xi32, #tpu.memory_space<vmem>>
        %dma_start3A_231 = arith.constant 0 : i32
        %dma_start3A_232 = arith.constant 0 : i32
        %dma_start3A_233 = tpu.memref_slice %arg2[%arg0, %dma_start3A_231, %dma_start3A_232] : memref<2x10240x128xf32, #tpu.memory_space<hbm>> -> memref<1x10240x128xf32, #tpu.memory_space<hbm>>
        %dma_start3A_234 = tpu.memref_squeeze %dma_start3A_233 : memref<1x10240x128xf32, #tpu.memory_space<hbm>> -> memref<10240x128xf32, #tpu.memory_space<hbm>>
        %dma_start3A_235 = arith.constant 0 : i32
        %dma_start3A_236 = arith.constant 0 : i32
        %dma_start3A_237 = tpu.memref_slice %dma_start3A_234[%dma_start3A_235, %dma_start3A_236] : memref<10240x128xf32, #tpu.memory_space<hbm>> -> memref<10240x128xf32, #tpu.memory_space<hbm>>
        tpu.enqueue_indirect_dma source(%dma_start3A_237 : memref<10240x128xf32, #tpu.memory_space<hbm>>) target(%arg13 : memref<80x128xf32, #tpu.memory_space<vmem>>) offsets(%dma_start3A_230 : memref<80xi32, #tpu.memory_space<vmem>>) semaphore(%arg21 : memref<!tpu.dma_semaphore, #tpu.memory_space<semaphore_mem>>)
      } else {
      }
      %dma_wait3A_158 = arith.constant 0 : i32
      %dma_wait3A_159 = arith.constant 0 : i32
      %dma_wait3A_160 = tpu.memref_slice %arg8[%dma_wait3A_158, %dma_wait3A_159] : memref<2x80xi32, #tpu.memory_space<vmem>> -> memref<1x80xi32, #tpu.memory_space<vmem>>
      %dma_wait3A_161 = tpu.memref_squeeze %dma_wait3A_160 : memref<1x80xi32, #tpu.memory_space<vmem>> -> memref<80xi32, #tpu.memory_space<vmem>>
      %dma_wait3A_162 = arith.constant 0 : i32
      %dma_wait3A_163 = arith.constant 0 : i32
      %dma_wait3A_164 = tpu.memref_slice %arg2[%arg0, %dma_wait3A_162, %dma_wait3A_163] : memref<2x10240x128xf32, #tpu.memory_space<hbm>> -> memref<1x10240x128xf32, #tpu.memory_space<hbm>>
      %dma_wait3A_165 = tpu.memref_squeeze %dma_wait3A_164 : memref<1x10240x128xf32, #tpu.memory_space<hbm>> -> memref<10240x128xf32, #tpu.memory_space<hbm>>
      %dma_wait3A_166 = arith.constant 0 : i32
      %dma_wait3A_167 = arith.constant 0 : i32
      %dma_wait3A_168 = tpu.memref_slice %dma_wait3A_165[%dma_wait3A_166, %dma_wait3A_167] : memref<10240x128xf32, #tpu.memory_space<hbm>> -> memref<10240x128xf32, #tpu.memory_space<hbm>>
      tpu.wait_indirect_dma semaphore(%arg20 : memref<!tpu.dma_semaphore, #tpu.memory_space<semaphore_mem>>) src(%dma_wait3A_168 : memref<10240x128xf32, #tpu.memory_space<hbm>>) dst(%arg12 : memref<80x128xf32, #tpu.memory_space<vmem>>)
      %dma_start3A_169 = arith.constant 1 : i32
      %dma_start3A_170 = arith.constant 0 : i32
      %dma_start3A_171 = tpu.memref_slice %arg8[%dma_start3A_169, %dma_start3A_170] : memref<2x80xi32, #tpu.memory_space<vmem>> -> memref<1x80xi32, #tpu.memory_space<vmem>>
      %dma_start3A_172 = tpu.memref_squeeze %dma_start3A_171 : memref<1x80xi32, #tpu.memory_space<vmem>> -> memref<80xi32, #tpu.memory_space<vmem>>
      %dma_start3A_173 = arith.constant 0 : i32
      %dma_start3A_174 = arith.constant 0 : i32
      %dma_start3A_175 = tpu.memref_slice %arg26[%dma_start3A_173, %dma_start3A_174] : memref<10240x128xf32, #tpu.memory_space<vmem_shared>> -> memref<10240x128xf32, #tpu.memory_space<vmem_shared>>
      tpu.enqueue_indirect_dma source(%arg12 : memref<80x128xf32, #tpu.memory_space<vmem>>) target(%dma_start3A_175 : memref<10240x128xf32, #tpu.memory_space<vmem_shared>>) offsets(%dma_start3A_172 : memref<80xi32, #tpu.memory_space<vmem>>) semaphore(%arg24 : memref<!tpu.dma_semaphore, #tpu.memory_space<semaphore_mem>>) {add = true}
      %mul3A_176 = arith.constant 4 : i32
      %mul3A_177 = arith.muli %scan3A_57, %mul3A_176 : i32
      %add3A_178 = arith.constant 3 : i32
      %add3A_179 = arith.addi %mul3A_177, %add3A_178 : i32
      %ge3A_180 = arith.constant 2 : i32
      %ge3A_181 = arith.cmpi sge, %add3A_179, %ge3A_180 : i32
      %convert_element_type3A_182 = arith.extui %ge3A_181 : i1 to i32
      %cond3A_183 = arith.constant 0 : i32
      %cond3A_184 = arith.cmpi ne, %convert_element_type3A_182, %cond3A_183 : i32
      scf.if %cond3A_184 {
        %dma_wait3A_217 = arith.constant 1 : i32
        %dma_wait3A_218 = arith.constant 0 : i32
        %dma_wait3A_219 = tpu.memref_slice %arg7[%dma_wait3A_217, %dma_wait3A_218] : memref<2x80xi32, #tpu.memory_space<vmem>> -> memref<1x80xi32, #tpu.memory_space<vmem>>
        %dma_wait3A_220 = tpu.memref_squeeze %dma_wait3A_219 : memref<1x80xi32, #tpu.memory_space<vmem>> -> memref<80xi32, #tpu.memory_space<vmem>>
        %dma_wait3A_221 = arith.constant 0 : i32
        %dma_wait3A_222 = arith.constant 0 : i32
        %dma_wait3A_223 = tpu.memref_slice %arg26[%dma_wait3A_221, %dma_wait3A_222] : memref<10240x128xf32, #tpu.memory_space<vmem_shared>> -> memref<10240x128xf32, #tpu.memory_space<vmem_shared>>
        tpu.wait_indirect_dma semaphore(%arg23 : memref<!tpu.dma_semaphore, #tpu.memory_space<semaphore_mem>>) src(%arg11 : memref<80x128xf32, #tpu.memory_space<vmem>>) dst(%dma_wait3A_223 : memref<10240x128xf32, #tpu.memory_space<vmem_shared>>)
      } else {
      }
      %add3A_185 = arith.constant 2 : i32
      %add3A_186 = arith.addi %add3A_179, %add3A_185 : i32
      %lt3A_187 = arith.constant 256 : i32
      %lt3A_188 = arith.cmpi slt, %add3A_186, %lt3A_187 : i32
      %convert_element_type3A_189 = arith.extui %lt3A_188 : i1 to i32
      %cond3A_190 = arith.constant 0 : i32
      %cond3A_191 = arith.cmpi ne, %convert_element_type3A_189, %cond3A_190 : i32
      scf.if %cond3A_191 {
        %add3A_217 = arith.constant 2 : i32
        %add3A_218 = arith.addi %add3A_179, %add3A_217 : i32
        %dma_start3A_219 = arith.constant 0 : i32
        %dma_start3A_220 = arith.constant 0 : i32
        %dma_start3A_221 = tpu.memref_slice %arg3[%arg1, %add3A_218, %dma_start3A_219, %dma_start3A_220] : memref<16x256x2x80xi32, #tpu.memory_space<hbm>> -> memref<1x1x2x80xi32, #tpu.memory_space<hbm>>
        %dma_start3A_222 = tpu.memref_squeeze %dma_start3A_221 : memref<1x1x2x80xi32, #tpu.memory_space<hbm>> -> memref<2x80xi32, #tpu.memory_space<hbm>>
        %dma_start3A_223 = arith.constant 0 : i32
        %dma_start3A_224 = arith.constant 0 : i32
        %dma_start3A_225 = tpu.memref_slice %arg3[%arg1, %add3A_218, %dma_start3A_223, %dma_start3A_224] : memref<16x256x2x80xi32, #tpu.memory_space<hbm>> -> memref<1x1x2x80xi32, #tpu.memory_space<hbm>>
        %dma_start3A_226 = tpu.memref_squeeze %dma_start3A_225 : memref<1x1x2x80xi32, #tpu.memory_space<hbm>> -> memref<2x80xi32, #tpu.memory_space<hbm>>
        tpu.enqueue_dma source(%dma_start3A_226 : memref<2x80xi32, #tpu.memory_space<hbm>>) target(%arg7 : memref<2x80xi32, #tpu.memory_space<vmem>>) target_semaphore(%arg15 : memref<!tpu.dma_semaphore, #tpu.memory_space<semaphore_mem>>)
      } else {
      }
      %add3A_192 = arith.constant 1 : i32
      %add3A_193 = arith.addi %add3A_179, %add3A_192 : i32
      %lt3A_194 = arith.constant 256 : i32
      %lt3A_195 = arith.cmpi slt, %add3A_193, %lt3A_194 : i32
      %convert_element_type3A_196 = arith.extui %lt3A_195 : i1 to i32
      %cond3A_197 = arith.constant 0 : i32
      %cond3A_198 = arith.cmpi ne, %convert_element_type3A_196, %cond3A_197 : i32
      scf.if %cond3A_198 {
        %add3A_217 = arith.constant 1 : i32
        %add3A_218 = arith.addi %add3A_179, %add3A_217 : i32
        %dma_wait3A_219 = arith.constant 0 : i32
        %dma_wait3A_220 = arith.constant 0 : i32
        %dma_wait3A_221 = tpu.memref_slice %arg3[%arg1, %add3A_218, %dma_wait3A_219, %dma_wait3A_220] : memref<16x256x2x80xi32, #tpu.memory_space<hbm>> -> memref<1x1x2x80xi32, #tpu.memory_space<hbm>>
        %dma_wait3A_222 = tpu.memref_squeeze %dma_wait3A_221 : memref<1x1x2x80xi32, #tpu.memory_space<hbm>> -> memref<2x80xi32, #tpu.memory_space<hbm>>
        %dma_wait3A_223 = arith.constant 0 : i32
        %dma_wait3A_224 = arith.constant 0 : i32
        %dma_wait3A_225 = tpu.memref_slice %arg3[%arg1, %add3A_218, %dma_wait3A_223, %dma_wait3A_224] : memref<16x256x2x80xi32, #tpu.memory_space<hbm>> -> memref<1x1x2x80xi32, #tpu.memory_space<hbm>>
        %dma_wait3A_226 = tpu.memref_squeeze %dma_wait3A_225 : memref<1x1x2x80xi32, #tpu.memory_space<hbm>> -> memref<2x80xi32, #tpu.memory_space<hbm>>
        tpu.wait_dma2 semaphore(%arg14 : memref<!tpu.dma_semaphore, #tpu.memory_space<semaphore_mem>>) src(%dma_wait3A_226 : memref<2x80xi32, #tpu.memory_space<hbm>>) dst(%arg6 : memref<2x80xi32, #tpu.memory_space<vmem>>)
        %dma_start3A_227 = arith.constant 0 : i32
        %dma_start3A_228 = arith.constant 0 : i32
        %dma_start3A_229 = tpu.memref_slice %arg6[%dma_start3A_227, %dma_start3A_228] : memref<2x80xi32, #tpu.memory_space<vmem>> -> memref<1x80xi32, #tpu.memory_space<vmem>>
        %dma_start3A_230 = tpu.memref_squeeze %dma_start3A_229 : memref<1x80xi32, #tpu.memory_space<vmem>> -> memref<80xi32, #tpu.memory_space<vmem>>
        %dma_start3A_231 = arith.constant 0 : i32
        %dma_start3A_232 = arith.constant 0 : i32
        %dma_start3A_233 = tpu.memref_slice %arg2[%arg0, %dma_start3A_231, %dma_start3A_232] : memref<2x10240x128xf32, #tpu.memory_space<hbm>> -> memref<1x10240x128xf32, #tpu.memory_space<hbm>>
        %dma_start3A_234 = tpu.memref_squeeze %dma_start3A_233 : memref<1x10240x128xf32, #tpu.memory_space<hbm>> -> memref<10240x128xf32, #tpu.memory_space<hbm>>
        %dma_start3A_235 = arith.constant 0 : i32
        %dma_start3A_236 = arith.constant 0 : i32
        %dma_start3A_237 = tpu.memref_slice %dma_start3A_234[%dma_start3A_235, %dma_start3A_236] : memref<10240x128xf32, #tpu.memory_space<hbm>> -> memref<10240x128xf32, #tpu.memory_space<hbm>>
        tpu.enqueue_indirect_dma source(%dma_start3A_237 : memref<10240x128xf32, #tpu.memory_space<hbm>>) target(%arg10 : memref<80x128xf32, #tpu.memory_space<vmem>>) offsets(%dma_start3A_230 : memref<80xi32, #tpu.memory_space<vmem>>) semaphore(%arg18 : memref<!tpu.dma_semaphore, #tpu.memory_space<semaphore_mem>>)
      } else {
      }
      %dma_wait3A_199 = arith.constant 0 : i32
      %dma_wait3A_200 = arith.constant 0 : i32
      %dma_wait3A_201 = tpu.memref_slice %arg9[%dma_wait3A_199, %dma_wait3A_200] : memref<2x80xi32, #tpu.memory_space<vmem>> -> memref<1x80xi32, #tpu.memory_space<vmem>>
      %dma_wait3A_202 = tpu.memref_squeeze %dma_wait3A_201 : memref<1x80xi32, #tpu.memory_space<vmem>> -> memref<80xi32, #tpu.memory_space<vmem>>
      %dma_wait3A_203 = arith.constant 0 : i32
      %dma_wait3A_204 = arith.constant 0 : i32
      %dma_wait3A_205 = tpu.memref_slice %arg2[%arg0, %dma_wait3A_203, %dma_wait3A_204] : memref<2x10240x128xf32, #tpu.memory_space<hbm>> -> memref<1x10240x128xf32, #tpu.memory_space<hbm>>
      %dma_wait3A_206 = tpu.memref_squeeze %dma_wait3A_205 : memref<1x10240x128xf32, #tpu.memory_space<hbm>> -> memref<10240x128xf32, #tpu.memory_space<hbm>>
      %dma_wait3A_207 = arith.constant 0 : i32
      %dma_wait3A_208 = arith.constant 0 : i32
      %dma_wait3A_209 = tpu.memref_slice %dma_wait3A_206[%dma_wait3A_207, %dma_wait3A_208] : memref<10240x128xf32, #tpu.memory_space<hbm>> -> memref<10240x128xf32, #tpu.memory_space<hbm>>
      tpu.wait_indirect_dma semaphore(%arg21 : memref<!tpu.dma_semaphore, #tpu.memory_space<semaphore_mem>>) src(%dma_wait3A_209 : memref<10240x128xf32, #tpu.memory_space<hbm>>) dst(%arg13 : memref<80x128xf32, #tpu.memory_space<vmem>>)
      %dma_start3A_210 = arith.constant 1 : i32
      %dma_start3A_211 = arith.constant 0 : i32
      %dma_start3A_212 = tpu.memref_slice %arg9[%dma_start3A_210, %dma_start3A_211] : memref<2x80xi32, #tpu.memory_space<vmem>> -> memref<1x80xi32, #tpu.memory_space<vmem>>
      %dma_start3A_213 = tpu.memref_squeeze %dma_start3A_212 : memref<1x80xi32, #tpu.memory_space<vmem>> -> memref<80xi32, #tpu.memory_space<vmem>>
      %dma_start3A_214 = arith.constant 0 : i32
      %dma_start3A_215 = arith.constant 0 : i32
      %dma_start3A_216 = tpu.memref_slice %arg26[%dma_start3A_214, %dma_start3A_215] : memref<10240x128xf32, #tpu.memory_space<vmem_shared>> -> memref<10240x128xf32, #tpu.memory_space<vmem_shared>>
      tpu.enqueue_indirect_dma source(%arg13 : memref<80x128xf32, #tpu.memory_space<vmem>>) target(%dma_start3A_216 : memref<10240x128xf32, #tpu.memory_space<vmem_shared>>) offsets(%dma_start3A_213 : memref<80xi32, #tpu.memory_space<vmem>>) semaphore(%arg25 : memref<!tpu.dma_semaphore, #tpu.memory_space<semaphore_mem>>) {add = true}
    }
    %scan3A_41 = arith.constant 64 : i32
    %dma_wait3A_42 = arith.constant 1 : i32
    %dma_wait3A_43 = arith.constant 0 : i32
    %dma_wait3A_44 = tpu.memref_slice %arg8[%dma_wait3A_42, %dma_wait3A_43] : memref<2x80xi32, #tpu.memory_space<vmem>> -> memref<1x80xi32, #tpu.memory_space<vmem>>
    %dma_wait3A_45 = tpu.memref_squeeze %dma_wait3A_44 : memref<1x80xi32, #tpu.memory_space<vmem>> -> memref<80xi32, #tpu.memory_space<vmem>>
    %dma_wait3A_46 = arith.constant 0 : i32
    %dma_wait3A_47 = arith.constant 0 : i32
    %dma_wait3A_48 = tpu.memref_slice %arg26[%dma_wait3A_46, %dma_wait3A_47] : memref<10240x128xf32, #tpu.memory_space<vmem_shared>> -> memref<10240x128xf32, #tpu.memory_space<vmem_shared>>
    tpu.wait_indirect_dma semaphore(%arg24 : memref<!tpu.dma_semaphore, #tpu.memory_space<semaphore_mem>>) src(%arg12 : memref<80x128xf32, #tpu.memory_space<vmem>>) dst(%dma_wait3A_48 : memref<10240x128xf32, #tpu.memory_space<vmem_shared>>)
    %dma_wait3A_49 = arith.constant 1 : i32
    %dma_wait3A_50 = arith.constant 0 : i32
    %dma_wait3A_51 = tpu.memref_slice %arg9[%dma_wait3A_49, %dma_wait3A_50] : memref<2x80xi32, #tpu.memory_space<vmem>> -> memref<1x80xi32, #tpu.memory_space<vmem>>
    %dma_wait3A_52 = tpu.memref_squeeze %dma_wait3A_51 : memref<1x80xi32, #tpu.memory_space<vmem>> -> memref<80xi32, #tpu.memory_space<vmem>>
    %dma_wait3A_53 = arith.constant 0 : i32
    %dma_wait3A_54 = arith.constant 0 : i32
    %dma_wait3A_55 = tpu.memref_slice %arg26[%dma_wait3A_53, %dma_wait3A_54] : memref<10240x128xf32, #tpu.memory_space<vmem_shared>> -> memref<10240x128xf32, #tpu.memory_space<vmem_shared>>
    tpu.wait_indirect_dma semaphore(%arg25 : memref<!tpu.dma_semaphore, #tpu.memory_space<semaphore_mem>>) src(%arg13 : memref<80x128xf32, #tpu.memory_space<vmem>>) dst(%dma_wait3A_55 : memref<10240x128xf32, #tpu.memory_space<vmem_shared>>)
    %barrier3A_56 = arith.constant 0 : index
    tpu.barrier barrier_id(%barrier3A_56)
    "tpu.region"() ({
      %run_scoped3A = tpu.sem_alloc : memref<!tpu.dma_semaphore, #tpu.memory_space<semaphore_mem>>
      %dma_start3A_57 = arith.constant 0 : i32
      %dma_start3A_58 = tpu.memref_slice %arg5[%arg0, %mul3A_0, %dma_start3A_57] : memref<2x10240x128xf32, #tpu.memory_space<hbm>> -> memref<1x640x128xf32, #tpu.memory_space<hbm>>
      %dma_start3A_59 = tpu.memref_squeeze %dma_start3A_58 : memref<1x640x128xf32, #tpu.memory_space<hbm>> -> memref<640x128xf32, #tpu.memory_space<hbm>>
      %dma_start3A_60 = arith.constant 0 : i32
      %dma_start3A_61 = tpu.memref_slice %arg26[%mul3A_0, %dma_start3A_60] : memref<10240x128xf32, #tpu.memory_space<vmem_shared>> -> memref<640x128xf32, #tpu.memory_space<vmem_shared>>
      tpu.enqueue_dma source(%dma_start3A_61 : memref<640x128xf32, #tpu.memory_space<vmem_shared>>) target(%dma_start3A_59 : memref<640x128xf32, #tpu.memory_space<hbm>>) target_semaphore(%run_scoped3A : memref<!tpu.dma_semaphore, #tpu.memory_space<semaphore_mem>>)
      %dma_wait3A_62 = arith.constant 0 : i32
      %dma_wait3A_63 = tpu.memref_slice %arg5[%arg0, %mul3A_0, %dma_wait3A_62] : memref<2x10240x128xf32, #tpu.memory_space<hbm>> -> memref<1x640x128xf32, #tpu.memory_space<hbm>>
      %dma_wait3A_64 = tpu.memref_squeeze %dma_wait3A_63 : memref<1x640x128xf32, #tpu.memory_space<hbm>> -> memref<640x128xf32, #tpu.memory_space<hbm>>
      %dma_wait3A_65 = arith.constant 0 : i32
      %dma_wait3A_66 = tpu.memref_slice %arg26[%mul3A_0, %dma_wait3A_65] : memref<10240x128xf32, #tpu.memory_space<vmem_shared>> -> memref<640x128xf32, #tpu.memory_space<vmem_shared>>
      tpu.wait_dma2 semaphore(%run_scoped3A : memref<!tpu.dma_semaphore, #tpu.memory_space<semaphore_mem>>) src(%dma_wait3A_66 : memref<640x128xf32, #tpu.memory_space<vmem_shared>>) dst(%dma_wait3A_64 : memref<640x128xf32, #tpu.memory_space<hbm>>)
      tpu.yield
    }) : () -> ()
    return
  }
}

module attributes {stable_mosaic.version = 14 : i64} {
  func.func @_mm1_body(%arg0: i32, %arg1: memref<1280x128xf32, #tpu.memory_space<vmem>>, %arg2: memref<128x256xf32, #tpu.memory_space<vmem>>, %arg3: memref<1280x256xf32, #tpu.memory_space<vmem>>) attributes {dimension_semantics = [#tpu.dimension_semantics<arbitrary>], iteration_bounds = array<i64: 8>, scalar_prefetch = 0 : i64, scratch_operands = 0 : i64, tpu.core_type = #tpu.core_type<tc>, window_params = [{transform_indices = @transform_0, window_bounds = array<i64: 1280, 128>}, {pipeline_mode = #tpu.pipeline_mode<synchronous>, transform_indices = @transform_1, window_bounds = array<i64: 128, 256>}, {transform_indices = @transform_2, window_bounds = array<i64: 1280, 256>}]} {
    %get3A = arith.constant 0 : index
    %get3A_0 = arith.constant 0 : index
    %get3A_1 = vector.load %arg1[%get3A, %get3A_0] : memref<1280x128xf32, #tpu.memory_space<vmem>>, vector<1280x128xf32>
    %get3A_2 = arith.constant 0 : index
    %get3A_3 = arith.constant 0 : index
    %get3A_4 = vector.load %arg2[%get3A_2, %get3A_3] : memref<128x256xf32, #tpu.memory_space<vmem>>, vector<128x256xf32>
    %dot_general3A = arith.constant dense<0.000000e+00> : vector<1280x256xf32>
    %dot_general3A_5 = tpu.matmul %get3A_1, %get3A_4, %dot_general3A {dimension_numbers = #tpu.dot_dimension_numbers<[1], [0], [0], [1], [0, 0, 1, 1], [], []>, transpose_lhs_hint = false} : vector<1280x128xf32>, vector<128x256xf32>, vector<1280x256xf32> -> vector<1280x256xf32>
    %swap3A = arith.constant 0 : index
    %swap3A_6 = arith.constant 0 : index
    %swap3A_7 = vector.load %arg3[%swap3A, %swap3A_6] : memref<1280x256xf32, #tpu.memory_space<vmem>>, vector<1280x256xf32>
    tpu.vector_store %arg3[%swap3A, %swap3A_6], %dot_general3A_5 {strides = array<i32>} : memref<1280x256xf32, #tpu.memory_space<vmem>>, vector<1280x256xf32>,
    return
  }
  func.func @transform_0(%arg0: i32) -> (i32, i32) {
    %c0_i32 = arith.constant 0 : i32
    %c0_i32_0 = arith.constant 0 : i32
    return %arg0, %c0_i32 : i32, i32
  }
  func.func @transform_1(%arg0: i32) -> (i32, i32) {
    %c0_i32 = arith.constant 0 : i32
    %c0_i32_0 = arith.constant 0 : i32
    %c0_i32_1 = arith.constant 0 : i32
    return %c0_i32, %c0_i32_0 : i32, i32
  }
  func.func @transform_2(%arg0: i32) -> (i32, i32) {
    %c0_i32 = arith.constant 0 : i32
    %c0_i32_0 = arith.constant 0 : i32
    return %arg0, %c0_i32 : i32, i32
  }
}

module attributes {stable_mosaic.version = 14 : i64} {
  func.func @_scale_body(%arg0: i32, %arg1: memref<1280x256xf32, #tpu.memory_space<vmem>>, %arg2: memref<1280x1xf32, #tpu.memory_space<vmem>>, %arg3: memref<1280x1xf32, #tpu.memory_space<vmem>>, %arg4: memref<2x1280x128xf32, #tpu.memory_space<vmem>>) attributes {dimension_semantics = [#tpu.dimension_semantics<arbitrary>], iteration_bounds = array<i64: 8>, scalar_prefetch = 0 : i64, scratch_operands = 0 : i64, tpu.core_type = #tpu.core_type<tc>, window_params = [{transform_indices = @transform_0, window_bounds = array<i64: 1280, 256>}, {transform_indices = @transform_1, window_bounds = array<i64: 1280, 1>}, {transform_indices = @transform_2, window_bounds = array<i64: 1280, 1>}, {transform_indices = @transform_3, window_bounds = array<i64: 2, 1280, 128>}]} {
    %get3A = arith.constant 0 : index
    %get3A_0 = arith.constant 0 : index
    %get3A_1 = vector.load %arg2[%get3A, %get3A_0] : memref<1280x1xf32, #tpu.memory_space<vmem>>, vector<1280x1xf32>
    %get3A_2 = arith.constant 0 : index
    %get3A_3 = arith.constant 0 : index
    %get3A_4 = vector.load %arg3[%get3A_2, %get3A_3] : memref<1280x1xf32, #tpu.memory_space<vmem>>, vector<1280x1xf32>
    %add3A = arith.addf %get3A_1, %get3A_4 : vector<1280x1xf32>
    %add3A_5 = arith.constant 1.000000e+00 : f32
    %add3A_6 = vector.broadcast %add3A_5 : f32 to vector<1280x1xf32>
    %add3A_7 = arith.addf %add3A, %add3A_6 : vector<1280x1xf32>
    %max3A = arith.constant 1.000000e+00 : f32
    %max3A_8 = vector.broadcast %max3A : f32 to vector<1280x1xf32>
    %max3A_9 = arith.maximumf %add3A_7, %max3A_8 : vector<1280x1xf32>
    %rsqrt3A = math.rsqrt %max3A_9 : vector<1280x1xf32>
    %get3A_10 = arith.constant 0 : index
    %get3A_11 = arith.constant 0 : index
    %get3A_12 = vector.load %arg1[%get3A_10, %get3A_11] : memref<1280x256xf32, #tpu.memory_space<vmem>>, vector<1280x128xf32>
    %mul3A = vector.broadcast %rsqrt3A : vector<1280x1xf32> to vector<1280x128xf32>
    %mul3A_13 = arith.mulf %get3A_12, %mul3A : vector<1280x128xf32>
    %swap3A = arith.constant 0 : index
    %swap3A_14 = arith.constant 0 : index
    %swap3A_15 = arith.constant 0 : index
    %swap3A_16 = vector.load %arg4[%swap3A, %swap3A_14, %swap3A_15] : memref<2x1280x128xf32, #tpu.memory_space<vmem>>, vector<1x1280x128xf32>
    %swap3A_17 = vector.shape_cast %swap3A_16 : vector<1x1280x128xf32> to vector<1280x128xf32>
    %swap3A_18 = vector.shape_cast %mul3A_13 : vector<1280x128xf32> to vector<1x1280x128xf32>
    tpu.vector_store %arg4[%swap3A, %swap3A_14, %swap3A_15], %swap3A_18 {strides = array<i32>} : memref<2x1280x128xf32, #tpu.memory_space<vmem>>, vector<1x1280x128xf32>,
    %get3A_19 = arith.constant 0 : index
    %get3A_20 = arith.constant 128 : index
    %get3A_21 = vector.load %arg1[%get3A_19, %get3A_20] : memref<1280x256xf32, #tpu.memory_space<vmem>>, vector<1280x128xf32>
    %mul3A_22 = vector.broadcast %rsqrt3A : vector<1280x1xf32> to vector<1280x128xf32>
    %mul3A_23 = arith.mulf %get3A_21, %mul3A_22 : vector<1280x128xf32>
    %swap3A_24 = arith.constant 1 : index
    %swap3A_25 = arith.constant 0 : index
    %swap3A_26 = arith.constant 0 : index
    %swap3A_27 = vector.load %arg4[%swap3A_24, %swap3A_25, %swap3A_26] : memref<2x1280x128xf32, #tpu.memory_space<vmem>>, vector<1x1280x128xf32>
    %swap3A_28 = vector.shape_cast %swap3A_27 : vector<1x1280x128xf32> to vector<1280x128xf32>
    %swap3A_29 = vector.shape_cast %mul3A_23 : vector<1280x128xf32> to vector<1x1280x128xf32>
    tpu.vector_store %arg4[%swap3A_24, %swap3A_25, %swap3A_26], %swap3A_29 {strides = array<i32>} : memref<2x1280x128xf32, #tpu.memory_space<vmem>>, vector<1x1280x128xf32>,
    return
  }
  func.func @transform_0(%arg0: i32) -> (i32, i32) {
    %c0_i32 = arith.constant 0 : i32
    %c0_i32_0 = arith.constant 0 : i32
    return %arg0, %c0_i32 : i32, i32
  }
  func.func @transform_1(%arg0: i32) -> (i32, i32) {
    %c0_i32 = arith.constant 0 : i32
    %c0_i32_0 = arith.constant 0 : i32
    return %arg0, %c0_i32 : i32, i32
  }
  func.func @transform_2(%arg0: i32) -> (i32, i32) {
    %c0_i32 = arith.constant 0 : i32
    %c0_i32_0 = arith.constant 0 : i32
    return %arg0, %c0_i32 : i32, i32
  }
  func.func @transform_3(%arg0: i32) -> (i32, i32, i32) {
    %c0_i32 = arith.constant 0 : i32
    %c0_i32_0 = arith.constant 0 : i32
    %c0_i32_1 = arith.constant 0 : i32
    return %c0_i32, %arg0, %c0_i32_0 : i32, i32, i32
  }
}

module attributes {stable_mosaic.version = 14 : i64} {
  func.func @_layer2_body(%arg0: i32, %arg1: memref<2x1280x128xf32, #tpu.memory_space<vmem>>, %arg2: memref<2x1280x128xf32, #tpu.memory_space<vmem>>, %arg3: memref<1280x1xf32, #tpu.memory_space<vmem>>, %arg4: memref<1280x1xf32, #tpu.memory_space<vmem>>, %arg5: memref<1x256xf32, #tpu.memory_space<vmem>>, %arg6: memref<256x128xf32, #tpu.memory_space<vmem>>, %arg7: memref<1280x128xf32, #tpu.memory_space<vmem>>) attributes {dimension_semantics = [#tpu.dimension_semantics<arbitrary>], iteration_bounds = array<i64: 8>, scalar_prefetch = 0 : i64, scratch_operands = 0 : i64, tpu.core_type = #tpu.core_type<tc>, window_params = [{transform_indices = @transform_0, window_bounds = array<i64: 2, 1280, 128>}, {transform_indices = @transform_1, window_bounds = array<i64: 2, 1280, 128>}, {transform_indices = @transform_2, window_bounds = array<i64: 1280, 1>}, {transform_indices = @transform_3, window_bounds = array<i64: 1280, 1>}, {pipeline_mode = #tpu.pipeline_mode<synchronous>, transform_indices = @transform_4, window_bounds = array<i64: 1, 256>}, {pipeline_mode = #tpu.pipeline_mode<synchronous>, transform_indices = @transform_5, window_bounds = array<i64: 256, 128>}, {transform_indices = @transform_6, window_bounds = array<i64: 1280, 128>}]} {
    %get3A = arith.constant 0 : index
    %get3A_0 = arith.constant 0 : index
    %get3A_1 = vector.load %arg3[%get3A, %get3A_0] : memref<1280x1xf32, #tpu.memory_space<vmem>>, vector<1280x1xf32>
    %get3A_2 = arith.constant 0 : index
    %get3A_3 = arith.constant 0 : index
    %get3A_4 = vector.load %arg4[%get3A_2, %get3A_3] : memref<1280x1xf32, #tpu.memory_space<vmem>>, vector<1280x1xf32>
    %add3A = arith.addf %get3A_1, %get3A_4 : vector<1280x1xf32>
    %add3A_5 = arith.constant 1.000000e+00 : f32
    %add3A_6 = vector.broadcast %add3A_5 : f32 to vector<1280x1xf32>
    %add3A_7 = arith.addf %add3A, %add3A_6 : vector<1280x1xf32>
    %max3A = arith.constant 1.000000e+00 : f32
    %max3A_8 = vector.broadcast %max3A : f32 to vector<1280x1xf32>
    %max3A_9 = arith.maximumf %add3A_7, %max3A_8 : vector<1280x1xf32>
    %rsqrt3A = math.rsqrt %max3A_9 : vector<1280x1xf32>
    %get3A_10 = arith.constant 0 : index
    %get3A_11 = arith.constant 0 : index
    %get3A_12 = arith.constant 0 : index
    %get3A_13 = vector.load %arg1[%get3A_10, %get3A_11, %get3A_12] : memref<2x1280x128xf32, #tpu.memory_space<vmem>>, vector<1x1280x128xf32>
    %get3A_14 = vector.shape_cast %get3A_13 : vector<1x1280x128xf32> to vector<1280x128xf32>
    %get3A_15 = arith.constant 0 : index
    %get3A_16 = arith.constant 0 : index
    %get3A_17 = arith.constant 0 : index
    %get3A_18 = vector.load %arg2[%get3A_15, %get3A_16, %get3A_17] : memref<2x1280x128xf32, #tpu.memory_space<vmem>>, vector<1x1280x128xf32>
    %get3A_19 = vector.shape_cast %get3A_18 : vector<1x1280x128xf32> to vector<1280x128xf32>
    %add3A_20 = arith.addf %get3A_14, %get3A_19 : vector<1280x128xf32>
    %mul3A = vector.broadcast %rsqrt3A : vector<1280x1xf32> to vector<1280x128xf32>
    %mul3A_21 = arith.mulf %mul3A, %add3A_20 : vector<1280x128xf32>
    %get3A_22 = arith.constant 0 : index
    %get3A_23 = arith.constant 0 : index
    %get3A_24 = vector.load %arg5[%get3A_22, %get3A_23] : memref<1x256xf32, #tpu.memory_space<vmem>>, vector<1x128xf32>
    %add3A_25 = vector.broadcast %get3A_24 : vector<1x128xf32> to vector<1280x128xf32>
    %add3A_26 = arith.addf %mul3A_21, %add3A_25 : vector<1280x128xf32>
    %max3A_27 = arith.constant 0.000000e+00 : f32
    %max3A_28 = vector.broadcast %max3A_27 : f32 to vector<1280x128xf32>
    %max3A_29 = arith.maximumf %add3A_26, %max3A_28 : vector<1280x128xf32>
    %get3A_30 = arith.constant 1 : index
    %get3A_31 = arith.constant 0 : index
    %get3A_32 = arith.constant 0 : index
    %get3A_33 = vector.load %arg1[%get3A_30, %get3A_31, %get3A_32] : memref<2x1280x128xf32, #tpu.memory_space<vmem>>, vector<1x1280x128xf32>
    %get3A_34 = vector.shape_cast %get3A_33 : vector<1x1280x128xf32> to vector<1280x128xf32>
    %get3A_35 = arith.constant 1 : index
    %get3A_36 = arith.constant 0 : index
    %get3A_37 = arith.constant 0 : index
    %get3A_38 = vector.load %arg2[%get3A_35, %get3A_36, %get3A_37] : memref<2x1280x128xf32, #tpu.memory_space<vmem>>, vector<1x1280x128xf32>
    %get3A_39 = vector.shape_cast %get3A_38 : vector<1x1280x128xf32> to vector<1280x128xf32>
    %add3A_40 = arith.addf %get3A_34, %get3A_39 : vector<1280x128xf32>
    %mul3A_41 = vector.broadcast %rsqrt3A : vector<1280x1xf32> to vector<1280x128xf32>
    %mul3A_42 = arith.mulf %mul3A_41, %add3A_40 : vector<1280x128xf32>
    %get3A_43 = arith.constant 0 : index
    %get3A_44 = arith.constant 128 : index
    %get3A_45 = vector.load %arg5[%get3A_43, %get3A_44] : memref<1x256xf32, #tpu.memory_space<vmem>>, vector<1x128xf32>
    %add3A_46 = vector.broadcast %get3A_45 : vector<1x128xf32> to vector<1280x128xf32>
    %add3A_47 = arith.addf %mul3A_42, %add3A_46 : vector<1280x128xf32>
    %max3A_48 = arith.constant 0.000000e+00 : f32
    %max3A_49 = vector.broadcast %max3A_48 : f32 to vector<1280x128xf32>
    %max3A_50 = arith.maximumf %add3A_47, %max3A_49 : vector<1280x128xf32>
    %get3A_51 = arith.constant 0 : index
    %get3A_52 = arith.constant 0 : index
    %get3A_53 = vector.load %arg6[%get3A_51, %get3A_52] : memref<256x128xf32, #tpu.memory_space<vmem>>, vector<128x128xf32>
    %dot_general3A = arith.constant dense<0.000000e+00> : vector<1280x128xf32>
    %dot_general3A_54 = tpu.matmul %max3A_29, %get3A_53, %dot_general3A {dimension_numbers = #tpu.dot_dimension_numbers<[1], [0], [0], [1], [0, 0, 1, 1], [], []>, transpose_lhs_hint = false} : vector<1280x128xf32>, vector<128x128xf32>, vector<1280x128xf32> -> vector<1280x128xf32>
    %get3A_55 = arith.constant 128 : index
    %get3A_56 = arith.constant 0 : index
    %get3A_57 = vector.load %arg6[%get3A_55, %get3A_56] : memref<256x128xf32, #tpu.memory_space<vmem>>, vector<128x128xf32>
    %dot_general3A_58 = arith.constant dense<0.000000e+00> : vector<1280x128xf32>
    %dot_general3A_59 = tpu.matmul %max3A_50, %get3A_57, %dot_general3A_58 {dimension_numbers = #tpu.dot_dimension_numbers<[1], [0], [0], [1], [0, 0, 1, 1], [], []>, transpose_lhs_hint = false} : vector<1280x128xf32>, vector<128x128xf32>, vector<1280x128xf32> -> vector<1280x128xf32>
    %add3A_60 = arith.addf %dot_general3A_54, %dot_general3A_59 : vector<1280x128xf32>
    %mul3A_61 = vector.broadcast %rsqrt3A : vector<1280x1xf32> to vector<1280x128xf32>
    %mul3A_62 = arith.mulf %add3A_60, %mul3A_61 : vector<1280x128xf32>
    %swap3A = arith.constant 0 : index
    %swap3A_63 = arith.constant 0 : index
    %swap3A_64 = vector.load %arg7[%swap3A, %swap3A_63] : memref<1280x128xf32, #tpu.memory_space<vmem>>, vector<1280x128xf32>
    tpu.vector_store %arg7[%swap3A, %swap3A_63], %mul3A_62 {strides = array<i32>} : memref<1280x128xf32, #tpu.memory_space<vmem>>, vector<1280x128xf32>,
    return
  }
  func.func @transform_0(%arg0: i32) -> (i32, i32, i32) {
    %c0_i32 = arith.constant 0 : i32
    %c0_i32_0 = arith.constant 0 : i32
    %c0_i32_1 = arith.constant 0 : i32
    return %c0_i32, %arg0, %c0_i32_0 : i32, i32, i32
  }
  func.func @transform_1(%arg0: i32) -> (i32, i32, i32) {
    %c0_i32 = arith.constant 0 : i32
    %c0_i32_0 = arith.constant 0 : i32
    %c0_i32_1 = arith.constant 0 : i32
    return %c0_i32, %arg0, %c0_i32_0 : i32, i32, i32
  }
  func.func @transform_2(%arg0: i32) -> (i32, i32) {
    %c0_i32 = arith.constant 0 : i32
    %c0_i32_0 = arith.constant 0 : i32
    return %arg0, %c0_i32 : i32, i32
  }
  func.func @transform_3(%arg0: i32) -> (i32, i32) {
    %c0_i32 = arith.constant 0 : i32
    %c0_i32_0 = arith.constant 0 : i32
    return %arg0, %c0_i32 : i32, i32
  }
  func.func @transform_4(%arg0: i32) -> (i32, i32) {
    %c0_i32 = arith.constant 0 : i32
    %c0_i32_0 = arith.constant 0 : i32
    %c0_i32_1 = arith.constant 0 : i32
    return %c0_i32, %c0_i32_0 : i32, i32
  }
  func.func @transform_5(%arg0: i32) -> (i32, i32) {
    %c0_i32 = arith.constant 0 : i32
    %c0_i32_0 = arith.constant 0 : i32
    %c0_i32_1 = arith.constant 0 : i32
    return %c0_i32, %c0_i32_0 : i32, i32
  }
  func.func @transform_6(%arg0: i32) -> (i32, i32) {
    %c0_i32 = arith.constant 0 : i32
    %c0_i32_0 = arith.constant 0 : i32
    return %arg0, %c0_i32 : i32, i32
  }
}

module attributes {stable_mosaic.version = 14 : i64} {
  func.func @_final_body(%arg0: i32, %arg1: memref<2x1280x128xf32, #tpu.memory_space<vmem>>, %arg2: memref<1280x128xf32, #tpu.memory_space<vmem>>, %arg3: memref<1280x1xf32, #tpu.memory_space<vmem>>, %arg4: memref<1280x1xf32, #tpu.memory_space<vmem>>, %arg5: memref<1x128xf32, #tpu.memory_space<vmem>>, %arg6: memref<1280x128xf32, #tpu.memory_space<vmem>>) attributes {dimension_semantics = [#tpu.dimension_semantics<arbitrary>], iteration_bounds = array<i64: 8>, scalar_prefetch = 0 : i64, scratch_operands = 0 : i64, tpu.core_type = #tpu.core_type<tc>, window_params = [{transform_indices = @transform_0, window_bounds = array<i64: 2, 1280, 128>}, {transform_indices = @transform_1, window_bounds = array<i64: 1280, 128>}, {transform_indices = @transform_2, window_bounds = array<i64: 1280, 1>}, {transform_indices = @transform_3, window_bounds = array<i64: 1280, 1>}, {pipeline_mode = #tpu.pipeline_mode<synchronous>, transform_indices = @transform_4, window_bounds = array<i64: 1, 128>}, {transform_indices = @transform_5, window_bounds = array<i64: 1280, 128>}]} {
    %get3A = arith.constant 0 : index
    %get3A_0 = arith.constant 0 : index
    %get3A_1 = arith.constant 0 : index
    %get3A_2 = vector.load %arg1[%get3A, %get3A_0, %get3A_1] : memref<2x1280x128xf32, #tpu.memory_space<vmem>>, vector<1x1280x128xf32>
    %get3A_3 = vector.shape_cast %get3A_2 : vector<1x1280x128xf32> to vector<1280x128xf32>
    %get3A_4 = arith.constant 1 : index
    %get3A_5 = arith.constant 0 : index
    %get3A_6 = arith.constant 0 : index
    %get3A_7 = vector.load %arg1[%get3A_4, %get3A_5, %get3A_6] : memref<2x1280x128xf32, #tpu.memory_space<vmem>>, vector<1x1280x128xf32>
    %get3A_8 = vector.shape_cast %get3A_7 : vector<1x1280x128xf32> to vector<1280x128xf32>
    %add3A = arith.addf %get3A_3, %get3A_8 : vector<1280x128xf32>
    %get3A_9 = arith.constant 0 : index
    %get3A_10 = arith.constant 0 : index
    %get3A_11 = vector.load %arg2[%get3A_9, %get3A_10] : memref<1280x128xf32, #tpu.memory_space<vmem>>, vector<1280x128xf32>
    %add3A_12 = arith.addf %add3A, %get3A_11 : vector<1280x128xf32>
    %get3A_13 = arith.constant 0 : index
    %get3A_14 = arith.constant 0 : index
    %get3A_15 = vector.load %arg3[%get3A_13, %get3A_14] : memref<1280x1xf32, #tpu.memory_space<vmem>>, vector<1280x1xf32>
    %get3A_16 = arith.constant 0 : index
    %get3A_17 = arith.constant 0 : index
    %get3A_18 = vector.load %arg4[%get3A_16, %get3A_17] : memref<1280x1xf32, #tpu.memory_space<vmem>>, vector<1280x1xf32>
    %add3A_19 = arith.addf %get3A_15, %get3A_18 : vector<1280x1xf32>
    %add3A_20 = arith.constant 1.000000e+00 : f32
    %add3A_21 = vector.broadcast %add3A_20 : f32 to vector<1280x1xf32>
    %add3A_22 = arith.addf %add3A_19, %add3A_21 : vector<1280x1xf32>
    %max3A = arith.constant 1.000000e+00 : f32
    %max3A_23 = vector.broadcast %max3A : f32 to vector<1280x1xf32>
    %max3A_24 = arith.maximumf %add3A_22, %max3A_23 : vector<1280x1xf32>
    %rsqrt3A = math.rsqrt %max3A_24 : vector<1280x1xf32>
    %mul3A = vector.broadcast %rsqrt3A : vector<1280x1xf32> to vector<1280x128xf32>
    %mul3A_25 = arith.mulf %mul3A, %add3A_12 : vector<1280x128xf32>
    %get3A_26 = arith.constant 0 : index
    %get3A_27 = arith.constant 0 : index
    %get3A_28 = vector.load %arg5[%get3A_26, %get3A_27] : memref<1x128xf32, #tpu.memory_space<vmem>>, vector<1x128xf32>
    %add3A_29 = vector.broadcast %get3A_28 : vector<1x128xf32> to vector<1280x128xf32>
    %add3A_30 = arith.addf %mul3A_25, %add3A_29 : vector<1280x128xf32>
    %swap3A = arith.constant 0 : index
    %swap3A_31 = arith.constant 0 : index
    %swap3A_32 = vector.load %arg6[%swap3A, %swap3A_31] : memref<1280x128xf32, #tpu.memory_space<vmem>>, vector<1280x128xf32>
    tpu.vector_store %arg6[%swap3A, %swap3A_31], %add3A_30 {strides = array<i32>} : memref<1280x128xf32, #tpu.memory_space<vmem>>, vector<1280x128xf32>,
    return
  }
  func.func @transform_0(%arg0: i32) -> (i32, i32, i32) {
    %c0_i32 = arith.constant 0 : i32
    %c0_i32_0 = arith.constant 0 : i32
    %c0_i32_1 = arith.constant 0 : i32
    return %c0_i32, %arg0, %c0_i32_0 : i32, i32, i32
  }
  func.func @transform_1(%arg0: i32) -> (i32, i32) {
    %c0_i32 = arith.constant 0 : i32
    %c0_i32_0 = arith.constant 0 : i32
    return %arg0, %c0_i32 : i32, i32
  }
  func.func @transform_2(%arg0: i32) -> (i32, i32) {
    %c0_i32 = arith.constant 0 : i32
    %c0_i32_0 = arith.constant 0 : i32
    return %arg0, %c0_i32 : i32, i32
  }
  func.func @transform_3(%arg0: i32) -> (i32, i32) {
    %c0_i32 = arith.constant 0 : i32
    %c0_i32_0 = arith.constant 0 : i32
    return %arg0, %c0_i32 : i32, i32
  }
  func.func @transform_4(%arg0: i32) -> (i32, i32) {
    %c0_i32 = arith.constant 0 : i32
    %c0_i32_0 = arith.constant 0 : i32
    %c0_i32_1 = arith.constant 0 : i32
    return %c0_i32, %c0_i32_0 : i32, i32
  }
  func.func @transform_5(%arg0: i32) -> (i32, i32) {
    %c0_i32 = arith.constant 0 : i32
    %c0_i32_0 = arith.constant 0 : i32
    return %arg0, %c0_i32 : i32, i32
  }
}

</mosaic_0001>

<sc_bundles>
// kernel: kernel.12.cloned.1.call-start
scs
__scs_entry_jumppad:
0x0: {  	(pc) =	sbr.rel $0x88, $3  }
0x1: {  	(tag) =	ssettag $0x0;
	lr =	simm.s32 $0x1  }
0x2: {  	[smem:$0x3F9B] =	sst lr;
	_ =	strace $0xD0000000  }
0x3: {  	_ = 	snop  }
0x4: {  	_ = 	snop  }
0x5: {  	_ = 	snop  }
0x6: {  	_ = 	snop  }
0x7: {  	_ = 	snop  }
__scs_overlays_trampoline_lowered:
0x8: {  	[smem:$0x3FAA] =	sst s0  }
0x9: {  	[smem:$0x3FAB] =	sst s1  }
0xa: {  	[smem:$0x3FAC] =	sst s2  }
0xb: {  	[smem:$0x3FAD] =	sst s3  }
0xc: {  	[smem:$0x3FAE] =	sst s4  }
0xd: {  	[smem:$0x3FAF] =	sst s5  }
0xe: {  	[smem:$0x3FB0] =	sst s6  }
0xf: {  	[smem:$0x3FB1] =	sst s7  }
0x10: {  	[smem:$0x3FB2] =	sst s8  }
0x11: {  	[smem:$0x3FB3] =	sst s9;
	s0 =	simm.s32 @!p0 $0x0  }
0x12: {  	s1 =	sld [smem:$0x3F99];
	s0 =	simm.s32 @p0 $0x1  }
0x13: {  	[smem:$0x3FB4] =	sst s0;
	s0 =	simm.s32 @!p1 $0x0  }
0x14: {  	s2 =	sld [smem:$0x3F98];
	s0 =	simm.s32 @p1 $0x1  }
0x15: {  	[smem:$0x3FB5] =	sst s0;
	s0 =	simm.s32 @!p2 $0x0  }
0x16: {  	s3 =	sld [smem:$0x3FDB];
	s0 =	simm.s32 @p2 $0x1  }
0x17: {  	s4 =	simm.s32 $0x1BF5;
	[smem:$0x3FB7] =	sst s0  }
0x18: {  	s0 =	sld [smem:$0x3F9A];
	_ =	swait.ge [sflag:s4], $0x0  }
0x19: {  	s7 =	sld [smem:$0x3F9B]  }
0x1a: {  	s8 =	sadd.s32 $0xFFFFE003, lr  }
0x1b: {  	s9 =	sadd.s32 $0xFFFFFEF7, lr;
	s5 =	simm.s32 $0xFFFFFFFF;
	p2 =	slt.u32 s8, $0xFFFFF086  }
0x1c: {  	p1 =	slt.u32 s9, $0xF7A;
	s5 =	simm.s32 @!p2 $0x0  }
0x1d: {  	s5 =	simm.s32 @p1 $0x1;
	p0 =	seq.s32 s7, s2  }
0x1e: {  	s7 =	smul.u32 @!p0 $0xF7A, s2;
	p2 =	seq.s32 @!p0 s5, $0x0  }
0x1f: {  	s9 =	smul.u32 $0xF7A, s1;
	s8 =	simm.s32 @!p0 $0x1BF5;
	p2 =	por !p2, p0  }
0x20: {  	[sflag:s8] =	ssyncset.s32 @!p0 $0xFFFFF086;
	s6 =	sadd.s32 @!p0 s3, s7;
	s7 =	simm.s32 @!p0 $0x108  }
0x21: {  	s3 =	sadd.s32 s3, s9;
	s6 =	sadd.s32 @!p0 $0x88, s6;
	s7 =	simm.s32 @p2 $0x1082  }
0x22: {  	[simem:s7], [sflag:s8] =	dma.local @!p0 [hbm:s6], $0xF7A  }
0x23: {  	s9 =	sor.u32 $0xD0000000, s2;
	s6 =	simm.s32 $0x108;
	_ =	swait.ge @!p0 [sflag:s8], $0x0  }
0x24: {  	s3 =	sadd.s32 $0x88, s3;
	s6 =	simm.s32 @!p1 $0x1082;
	[sflag:s4] =	ssyncset.s32 $0xFFFFF086  }
0x25: {  	[simem:s6], [sflag:s4] =	dma.local [hbm:s3], $0xF7A  }
0x26: {  	[smem:$0x3F9B] =	sst s1;
	(tag) =	ssettag s2;
	_ =	strace s9  }
0x27: {  	s1 =	sld [smem:$0x3FAB]  }
0x28: {  	s2 =	sld [smem:$0x3FAC]  }
0x29: {  	s4 =	sld [smem:$0x3FAE]  }
0x2a: {  	p0 =	seq.s32 s5, $0x0;
	s5 =	sld [smem:$0x3FAF]  }
0x2b: {  	s6 =	sld [smem:$0x3FB0]  }
0x2c: {  	s7 =	sld [smem:$0x3FB1]  }
0x2d: {  	s3 =	simm.s32 $0x108;
	s8 =	sld [smem:$0x3FB2]  }
0x2e: {  	s3 =	simm.s32 @!p0 $0x1082;
	s9 =	sld [smem:$0x3FB3]  }
0x2f: {  	lr =	sadd.s32 s0, s3;
	s0 =	sld [smem:$0x3FAA]  }
0x30: {  	s3 =	sld [smem:$0x3FAD]  }
0x31: {  	[smem:$0x3FB6] =	sst s10  }
0x32: {  	s10 =	sld [smem:$0x3FB4];
	_ =	sdelay $0x3  }
0x33: {  	p0 =	seq.s32 s10, $0x1;
	s10 =	sld [smem:$0x3FB6];
	_ =	sdelay $0x3  }
0x34: {  	[smem:$0x3FB6] =	sst s10  }
0x35: {  	s10 =	sld [smem:$0x3FB5];
	_ =	sdelay $0x3  }
0x36: {  	p1 =	seq.s32 s10, $0x1;
	s10 =	sld [smem:$0x3FB6];
	_ =	sdelay $0x3  }
0x37: {  	[smem:$0x3FB6] =	sst s10  }
0x38: {  	s10 =	sld [smem:$0x3FB7]  }
0x39: {  	_ = 	snop;
	(pc) =	sbr.ind lr, $3  }
0x3a: {  	_ = 	snop  }
0x3b: {  	_ = 	snop  }
0x3c: {  	p2 =	seq.s32 s10, $0x1;
	s10 =	sld [smem:$0x3FB6]  }
0x3d: {  	_ =	shalt  }
0x3e: {  	_ =	shalt  }
0x3f: {  	_ =	shalt  }
0x40: {  	_ =	shalt  }
0x41: {  	_ =	shalt  }
0x42: {  	_ =	shalt  }
0x43: {  	_ =	shalt  }
0x44: {  	_ =	shalt  }
0x45: {  	_ =	shalt  }
0x46: {  	_ =	shalt  }
0x47: {  	_ =	shalt  }
0x48: {  	_ =	shalt  }
0x49: {  	_ =	shalt  }
0x4a: {  	_ =	shalt  }
0x4b: {  	_ =	shalt  }
0x4c: {  	_ =	shalt  }
0x4d: {  	_ =	shalt  }
0x4e: {  	_ =	shalt  }
0x4f: {  	_ =	shalt  }
0x50: {  	_ =	shalt  }
0x51: {  	_ =	shalt  }
0x52: {  	_ =	shalt  }
0x53: {  	_ =	shalt  }
0x54: {  	_ =	shalt  }
0x55: {  	_ =	shalt  }
0x56: {  	_ =	shalt  }
0x57: {  	_ =	shalt  }
0x58: {  	_ =	shalt  }
0x59: {  	_ =	shalt  }
0x5a: {  	_ =	shalt  }
0x5b: {  	_ =	shalt  }
0x5c: {  	_ =	shalt  }
0x5d: {  	_ =	shalt  }
0x5e: {  	_ =	shalt  }
0x5f: {  	_ =	shalt  }
0x60: {  	_ =	shalt  }
0x61: {  	_ =	shalt  }
0x62: {  	_ =	shalt  }
0x63: {  	_ =	shalt  }
0x64: {  	_ =	shalt  }
0x65: {  	_ =	shalt  }
0x66: {  	_ =	shalt  }
0x67: {  	_ =	shalt  }
0x68: {  	_ =	shalt  }
0x69: {  	_ =	shalt  }
0x6a: {  	_ =	shalt  }
0x6b: {  	_ =	shalt  }
0x6c: {  	_ =	shalt  }
0x6d: {  	_ =	shalt  }
0x6e: {  	_ =	shalt  }
0x6f: {  	_ =	shalt  }
0x70: {  	_ =	shalt  }
0x71: {  	_ =	shalt  }
0x72: {  	_ =	shalt  }
0x73: {  	_ =	shalt  }
0x74: {  	_ =	shalt  }
0x75: {  	_ =	shalt  }
0x76: {  	_ =	shalt  }
0x77: {  	_ =	shalt  }
0x78: {  	_ =	shalt  }
0x79: {  	_ =	shalt  }
0x7a: {  	_ =	shalt  }
0x7b: {  	_ =	shalt  }
0x7c: {  	_ =	shalt  }
0x7d: {  	_ =	shalt  }
0x7e: {  	_ =	shalt  }
0x7f: {  	_ =	shalt  }
0x80: {  	_ =	shalt  }
0x81: {  	_ =	shalt  }
0x82: {  	_ =	shalt  }
0x83: {  	_ =	shalt  }
0x84: {  	_ =	shalt  }
0x85: {  	_ =	shalt  }
0x86: {  	_ =	shalt  }
0x87: {  	_ =	shalt  }
.Lfunc_end0:
.L_simem_size_0:
called_computation.1_lowered:
.L_overlay_start_0:
0x88: {  	s2 =	sld [smem:$0x3FD9]  }
0x89: {  	s3 =	sld [smem:$0x3FFE];
	_ =	sdelay $0x1  }
0x8a: {  	s1 =	srdreg.scid  }
0x8b: {  	s0 =	sand.u32 $0x1, s1  }
0x8c: {  	s17 =	sshll.u32 s0, $0xA;
	s2 =	sadd.s32 s3, s2  }
0x8d: {  	s2 =	sadd.s32 s2, s17  }
0x8e: {  	[smem:$0x3FC2] =	sst s2  }
0x8f: {  	_ = 	snop  }
0x90: {  	s2 =	sld [smem:$0x3FD0];
	(tm) =	ssettm $0x1  }
0x91: {  	s18 =	sld [smem:$0x3FFB];
	_ =	sdelay $0x3  }
0x92: {  	_ =	strace s18  }
0x93: {  	s3 =	sld [smem:$0x3FFC];
	_ =	sdelay $0x3  }
0x94: {  	_ =	strace s3  }
0x95: {  	s3 =	sld [smem:$0x3FFD];
	_ =	sdelay $0x3  }
0x96: {  	_ =	strace s3  }
0x97: {  	_ =	strace $0x8FFFFFFF  }
0x98: {  	s19 =	sld [smem:$0x3FDB];
	_ =	sdelay $0x1  }
0x99: {  	s4 =	simm.s32 $_scs_section_size  }
0x9a: {  	s5 =	simm.s32 $_size__tile_overlayer_lowered;
	s6 =	simm.s32 $_tile_overlayer_lowered  }
0x9b: {  	s22 =	simm.s32 $0x1BFF;
	s21 =	sshll.u32 s6, $0x1;
	s3 =	sadd.s32 s4, s19  }
0x9c: {  	s7 =	simm.s32 $0x0;
	s20 =	sshll.u32 s5, $0x1;
	s5 =	sadd.s32 s21, s3  }
0x9d: {  	[timem:s7], [sflag:s22] =	dma.local [hbm:s5], s20  }
0x9e: {  	_ =	swait.ge [sflag:s22], s20  }
0x9f: {  	s4 =	ssub.s32 $0x0, s20;
	[sflag:s22] =	ssyncset.done $0x0  }
0xa0: {  	[sflag:s22] =	ssyncadd.s32 s4;
	_ =	sdelay $0x1  }
0xa1: {  	s23 =	simm.s32 $0x1B8B  }
0xa2: {  	_ =	swait.ge [sflag:s23], $0x1  }
0xa3: {  	[sflag:s23] =	ssyncset.done $0x0  }
0xa4: {  	s25 =	simm.s32 $0x1B8E;
	s24 =	sld [smem:$0x3FFE];
	[sflag:s23] =	ssyncadd.s32 $0xFFFFFFFF  }
0xa5: {  	s26 =	simm.s32 $execute0_lowered;
	[smem:$0x3FD2] =	sst s25  }
0xa6: {  	s5 =	sshll.u32 s26, $0x1;
	_ =	strace $0x80000049;
	[dreg:$0x1] =	wrdreg $0xFFFFFFFF  }
0xa7: {  	s28 =	simm.s32 $_size_execute0_lowered;
	s3 =	sadd.s32 s3, s5;
	[dreg:$0x0] =	wrdreg $0x0  }
0xa8: {  	s5 =	sshll.u32 s28, $0x1;
	[dreg:$0x2] =	wrdreg s3  }
0xa9: {  	[dreg:$0x3] =	wrdreg s5  }
0xaa: {  	[dreg:$0x4] =	wrdreg $0xC0  }
0xab: {  	_ =	task [dreg:s7], $0x5FFFF  }
0xac: {  	[dreg:$0x1] =	wrdreg $0xFFFFFFFF  }
0xad: {  	[dreg:$0x0] =	wrdreg $0x60  }
0xae: {  	[dreg:$0x2] =	wrdreg s24  }
0xaf: {  	[dreg:$0x3] =	wrdreg s2  }
0xb0: {  	[dreg:$0x4] =	wrdreg $0xA4000  }
0xb1: {  	[dreg:$0x5] =	wrdreg $0x9  }
0xb2: {  	_ =	task.clear_ibuf [dreg:s7], $0x6FFFF;
	_ =	strace $0x90000049  }
0xb3: {  	s29 =	simm.s32 $0x9;
	_ =	strace $0x8000004B  }
0xb4: {  	_ =	swait.ge [sflag:s29], $0x1  }
0xb5: {  	[sflag:s29] =	ssyncadd.s32 $0xFFFFFFFF  }
0xb6: {  	_ =	strace $0x9000004B  }
0xb7: {  	_ =	sfence  }
0xb8: {  	s30 =	sld [smem:$0x0];
	_ =	sdelay $0x2  }
0xb9: {  	s31 =	sshll.u32 s1, $0xD;
	s1 =	sshrl.u32 s1, $0x2  }
0xba: {  	s3 =	sand.u32 $0x4000, s31;
	s1 =	sadd.s32 s1, s30  }
0xbb: {  	s0 =	sor.u32 s3, s0;
	s1 =	sshll.u32 s1, $0x11  }
0xbc: {  	s0 =	sor.u32 s1, s0  }
0xbd: {  	s0 =	sadd.s32 $0x8F2B, s0  }
0xbe: {  	[sflag:s0] =	ssyncadd.remote.s32 $0x1  }
0xbf: {  	_ =	sfence.sel $0xFFFF  }
0xc0: {  	[dreg:$0x0] =	wrdreg $0xFFFFFFFF;
	(pc) =	sbr.abs _section_cstart, $3  }
0xc1: {  	[dreg:$0x1] =	wrdreg $0xFFFFFFFF  }
0xc2: {  	_ =	task.clear_ibuf [dreg:s7], $0x2FFFF;
	_ =	strace $0x9FFFFFFF  }
0xc3: {  	(tm) =	ssettm $0x7FFFFFFF  }
tec
execute0_lowered:
.L_overlay_start_1:
0x0: {  	(tag) =	ssettag $0x1  }
0x1: {  	s0 =	rddreg [dreg:$0x0]  }
0x2: {  	s4 =	rddreg [dreg:$0x1]  }
0x3: {  	s1 =	srdreg.scid;
	s2 =	rddreg [dreg:$0x2];
	s3 =	simm.s32 $0x0  }
0x4: {  	s9 =	stileid.u32;
	s12 =	simm.s32 $0xD;
	s13 =	simm.s32 $0x100  }
0x5: {  	s15 =	simm.s32 $0x50;
	s16 =	simm.s32 $0x400;
	s23 =	simm.s32 $0x80  }
0x6: {  	s24 =	simm.s32 $0x180;
	s25 =	simm.s32 $0x280;
	s26 =	simm.s32 $0x380  }
0x7: {  	s28 =	simm.s32 $0x7C00;
	s29 =	simm.s32 $0x7;
	s30 =	simm.s32 $0xA  }
0x8: {  	s31 =	simm.s32 $0x8;
	s1 =	sand.u32 $0x1, s1;
	s7 =	smul.u32 $0x14000, s9  }
0x9: {  	[smem:$0x7FF] =	sst s3;
	s18 =	smul.u32 $0x50000, s9;
	s20 =	sshll.u32 s9, $0xD  }
0xa: {  	s21 =	sshll.u32 s9, $0x6;
	_ =	strace $0x8000004A;
	[dreg:$0x4] =	wrdreg s23  }
0xb: {  	s5 =	smul.u32 $0x140000, s1;
	s1 =	ssub.s32 $0x2, s1;
	[dreg:$0x5] =	wrdreg s24  }
0xc: {  	[dreg:$0x6] =	wrdreg s25;
	s23 =	simm.s32 $0x5400;
	s24 =	simm.s32 $0x6  }
0xd: {  	[dreg:$0x7] =	wrdreg s26;
	s25 =	simm.s32 $0x9;
	s26 =	simm.s32 $0x4  }
0xe: {  	s17 =	sshrl.u32 s7, $0x3;
	s19 =	sshrl.u32 s1, $0x1;
	s6 =	sshrl.u32 s5, $0x3  }
0xf: {  	s5 =	sadd.s32 s7, s5;
	s7 =	sshrl.u32 s18, $0x2;
	s1 =	ssub.s32 s1, s19  }
0x10: {  	s18 =	simm.s32 $0x2;
	s19 =	simm.s32 $0x2C00;
	s8 =	sadd.s32 s6, s0  }
0x11: {  	s6 =	sadd.s32 s17, s0;
	s5 =	sshrl.u32 s5, $0x3;
	s7 =	sadd.s32 s7, s2  }
0x12: {  	s22 =	smax.u32 s1, $0x1;
	s17 =	simm.s32 $0x200;
	s0 =	sadd.s32 s5, s0  }
0x13: {  	s6 =	sadd.s32 $0x52000, s6;
	s5 =	sadd.s32 s4, s20;
	s8 =	sadd.s32 $0x2000, s8  }
0x14: {  	[dreg:$0xb] =	wrdreg s22;
	s11 =	sshrl.u32 s7, $0x3;
	s20 =	simm.s32 $0x5  }
0x15: {  	s22 =	simm.s32 $0x3;
	[dreg:$0x8] =	wrdreg s6;
	s4 =	sadd.s32 $0x20, s5  }
0x16: {  	s6 =	sor.u32 $0x1C0D, s21;
	s0 =	sadd.s32 $0x7A000, s0;
	[dreg:$0x9] =	wrdreg s4  }
0x17: {  	s21 =	simm.s32 $0x300;
	[dreg:$0xa] =	wrdreg s0;
	s4 =	simm.s32 $0x0  }
.LBB2_1:
0x18: {  	s0 =	rddreg [dreg:$0x8]  }
0x19: {  	[spmem:s11], [sflag:s6] =	dma.local [hbm:s0], $0x2800  }
0x1a: {  	_ =	swait.ge [sflag:s12], $0x2800  }
0x1b: {  	[sflag:s12] =	ssyncset.done $0x0  }
0x1c: {  	[sflag:s12] =	ssyncadd.s32 $0xFFFFD800  }
0x1d: {  	[tilespmem:s3], [sflag:$0x1] =	stream.linear.gather [hbm4b:s5+s3], $0x100, $0x38;
	[tilespmem:$0x1E400] =	vst v63  }
0x1e: {  	s14 =	simm.s32 $0x1;
	s10 =	rddreg [dreg:$0x9]  }
0x1f: {  	[tilespmem:s13], [sflag:$0x2] =	stream.linear.gather [hbm4b:s10+s3], $0x100, $0x38;
	[tilespmem:$0x1E400] =	vst v63  }
0x20: {  	_ =	swait.ge [sflag:s14], $0x100  }
0x21: {  	p0 =	por $0x1, $0x1;
	[sflag:s14] =	ssyncset.done $0x0  }
0x22: {  	p0 =	por p0, p0;
	[sflag:s14] =	ssyncadd.s32 $0xFFFFFF00  }
0x23: {  	[tilespmem:s16], [sflag:$0x5] =	stream.indirect.gather [hbm4b:s8+s15], $0x80, s3, s15, $0xb8;
	[tilespmem:$0x1E400] =	vst v63  }
0x24: {  	s7 =	simm.s32 @!p0 $0xB;
	[bflag:$0x0] =	sbarrier.arrive $0xFFFF  }
0x25: {  	_ =	swait.ge @!p0 [sflag:s7], $0x2800  }
0x26: {  	s9 =	sadd.s32 $0x0, s5;
	[sflag:s7] =	ssyncset.done @!p0 $0x0  }
0x27: {  	s0 =	sadd.s32 $0x40, s9;
	[sflag:s7] =	ssyncadd.s32 @!p0 $0xFFFFD800  }
0x28: {  	[tilespmem:s17], [sflag:$0x3] =	stream.linear.gather [hbm4b:s0+s3], $0x100, $0x38;
	[tilespmem:$0x1E400] =	vst v63  }
0x29: {  	_ =	swait.ge [sflag:s18], $0x100  }
0x2a: {  	[sflag:s18] =	ssyncset.done $0x0  }
0x2b: {  	[sflag:s18] =	ssyncadd.s32 $0xFFFFFF00  }
0x2c: {  	[tilespmem:s19], [sflag:$0x6] =	stream.indirect.gather [hbm4b:s8+s15], $0x80, s13, s15, $0xb8;
	[tilespmem:$0x1E400] =	vst v63  }
0x2d: {  	_ =	swait.ge [sflag:s20], $0x2800  }
0x2e: {  	[sflag:s20] =	ssyncset.done $0x0  }
0x2f: {  	s10 =	simm.s32 @!p0 $0xC;
	s1 =	rddreg [dreg:$0x4];
	[sflag:s20] =	ssyncadd.s32 $0xFFFFD800  }
0x30: {  	[spmem:s2] =	stream.indirect.scatter.add.f32 [tilespmem:s16], [sflag:$0x9], $0x80, s1, s15, $0xb8;
	[tilespmem:$0x1E400] =	vst v63  }
0x31: {  	_ =	swait.ge @!p0 [sflag:s10], $0x2800  }
0x32: {  	[sflag:s10] =	ssyncset.done @!p0 $0x0  }
0x33: {  	s9 =	sadd.s32 $0x60, s9;
	[sflag:s10] =	ssyncadd.s32 @!p0 $0xFFFFD800  }
0x34: {  	[tilespmem:s21], [sflag:$0x4] =	stream.linear.gather [hbm4b:s9+s3], $0x100, $0x38;
	[tilespmem:$0x1E400] =	vst v63  }
0x35: {  	_ =	swait.ge [sflag:s22], $0x100  }
0x36: {  	[sflag:s22] =	ssyncset.done $0x0  }
0x37: {  	[sflag:s22] =	ssyncadd.s32 $0xFFFFFF00  }
0x38: {  	[tilespmem:s23], [sflag:$0x7] =	stream.indirect.gather [hbm4b:s8+s15], $0x80, s17, s15, $0xb8;
	[tilespmem:$0x1E400] =	vst v63  }
0x39: {  	_ =	swait.ge [sflag:s24], $0x2800  }
0x3a: {  	[sflag:s24] =	ssyncset.done $0x0  }
0x3b: {  	s10 =	rddreg [dreg:$0x5];
	[sflag:s24] =	ssyncadd.s32 $0xFFFFD800  }
0x3c: {  	[spmem:s2] =	stream.indirect.scatter.add.f32 [tilespmem:s19], [sflag:$0xA], $0x80, s10, s15, $0xb8;
	[tilespmem:$0x1E400] =	vst v63  }
0x3d: {  	p0 =	por $0x0, $0x0;
	_ =	swait.ge [sflag:s25], $0x2800  }
0x3e: {  	s7 =	sadd.s32 @!p0 $0x0, s5;
	[sflag:s25] =	ssyncset.done $0x0  }
0x3f: {  	s9 =	sadd.s32 @!p0 $0x80, s7;
	s10 =	simm.s32 @!p0 $0x0;
	[sflag:s25] =	ssyncadd.s32 $0xFFFFD800  }
0x40: {  	[tilespmem:s10], [sflag:$0x1] =	stream.linear.gather @!p0 [hbm4b:s9+s10], $0x100, $0x38;
	[tilespmem:$0x1E400] =	vst v63  }
0x41: {  	_ =	swait.ge [sflag:s26], $0x100  }
0x42: {  	[sflag:s26] =	ssyncset.done $0x0  }
0x43: {  	[sflag:s26] =	ssyncadd.s32 $0xFFFFFF00  }
0x44: {  	[tilespmem:s28], [sflag:$0x8] =	stream.indirect.gather [hbm4b:s8+s15], $0x80, s21, s15, $0xb8;
	[tilespmem:$0x1E400] =	vst v63  }
0x45: {  	_ =	swait.ge [sflag:s29], $0x2800  }
0x46: {  	[sflag:s29] =	ssyncset.done $0x0  }
0x47: {  	s14 =	rddreg [dreg:$0x6];
	[sflag:s29] =	ssyncadd.s32 $0xFFFFD800  }
0x48: {  	[spmem:s2] =	stream.indirect.scatter.add.f32 [tilespmem:s23], [sflag:$0xB], $0x80, s14, s15, $0xb8;
	[tilespmem:$0x1E400] =	vst v63  }
0x49: {  	_ =	swait.ge [sflag:s30], $0x2800  }
0x4a: {  	[sflag:s30] =	ssyncset.done $0x0  }
0x4b: {  	s7 =	sadd.s32 @!p0 $0xA0, s7;
	s9 =	simm.s32 @!p0 $0x100;
	[sflag:s30] =	ssyncadd.s32 $0xFFFFD800  }
0x4c: {  	[tilespmem:s9], [sflag:$0x2] =	stream.linear.gather @!p0 [hbm4b:s7+s10], $0x100, $0x38;
	[tilespmem:$0x1E400] =	vst v63  }
0x4d: {  	s7 =	simm.s32 @!p0 $0x1  }
0x4e: {  	_ =	swait.ge @!p0 [sflag:s7], $0x100  }
0x4f: {  	[sflag:s7] =	ssyncset.done @!p0 $0x0  }
0x50: {  	s9 =	simm.s32 @!p0 $0x400;
	[sflag:s7] =	ssyncadd.s32 @!p0 $0xFFFFFF00;
	s7 =	simm.s32 @!p0 $0x50  }
0x51: {  	[tilespmem:s9], [sflag:$0x5] =	stream.indirect.gather @!p0 [hbm4b:s8+s7], $0x80, s10, s7, $0xb8;
	[tilespmem:$0x1E400] =	vst v63  }
0x52: {  	p6 =	por $0x0, $0x0;
	_ =	swait.ge [sflag:s31], $0x2800  }
0x53: {  	s7 =	simm.s32 $0x80;
	s9 =	simm.s32 $0x100;
	[sflag:s31] =	ssyncset.done $0x0  }
0x54: {  	p0 =	por p6, p6;
	s10 =	rddreg [dreg:$0x7];
	[sflag:s31] =	ssyncadd.s32 $0xFFFFD800  }
.LBB2_2:
0x55: {  	[spmem:s2] =	stream.indirect.scatter.add.f32 [tilespmem:s28], [sflag:$0xC], $0x80, s10, s15, $0xb8;
	[tilespmem:$0x1E400] =	vst v63  }
0x56: {  	s14 =	simm.s32 @!p0 $0xB  }
0x57: {  	_ =	swait.ge @!p0 [sflag:s14], $0x2800  }
0x58: {  	s0 =	sadd.s32 s7, s5;
	[sflag:s14] =	ssyncset.done @!p0 $0x0  }
0x59: {  	s1 =	sadd.s32 $0x40, s0;
	[sflag:s14] =	ssyncadd.s32 @!p0 $0xFFFFD800  }
0x5a: {  	[tilespmem:s17], [sflag:$0x3] =	stream.linear.gather [hbm4b:s1+s3], $0x100, $0x38;
	[tilespmem:$0x1E400] =	vst v63  }
0x5b: {  	_ =	swait.ge [sflag:s18], $0x100  }
0x5c: {  	[sflag:s18] =	ssyncset.done $0x0  }
0x5d: {  	[sflag:s18] =	ssyncadd.s32 $0xFFFFFF00  }
0x5e: {  	[tilespmem:s19], [sflag:$0x6] =	stream.indirect.gather [hbm4b:s8+s15], $0x80, s13, s15, $0xb8;
	[tilespmem:$0x1E400] =	vst v63  }
0x5f: {  	_ =	swait.ge [sflag:s20], $0x2800  }
0x60: {  	[sflag:s20] =	ssyncset.done $0x0  }
0x61: {  	s1 =	simm.s32 @!p0 $0xC;
	s14 =	rddreg [dreg:$0x4];
	[sflag:s20] =	ssyncadd.s32 $0xFFFFD800  }
0x62: {  	[spmem:s2] =	stream.indirect.scatter.add.f32 [tilespmem:s16], [sflag:$0x9], $0x80, s14, s15, $0xb8;
	[tilespmem:$0x1E400] =	vst v63  }
0x63: {  	_ =	swait.ge @!p0 [sflag:s1], $0x2800  }
0x64: {  	[sflag:s1] =	ssyncset.done @!p0 $0x0  }
0x65: {  	s0 =	sadd.s32 $0x60, s0;
	[sflag:s1] =	ssyncadd.s32 @!p0 $0xFFFFD800  }
0x66: {  	[tilespmem:s21], [sflag:$0x4] =	stream.linear.gather [hbm4b:s0+s3], $0x100, $0x38;
	[tilespmem:$0x1E400] =	vst v63  }
0x67: {  	_ =	swait.ge [sflag:s22], $0x100  }
0x68: {  	[sflag:s22] =	ssyncset.done $0x0  }
0x69: {  	[sflag:s22] =	ssyncadd.s32 $0xFFFFFF00  }
0x6a: {  	[tilespmem:s23], [sflag:$0x7] =	stream.indirect.gather [hbm4b:s8+s15], $0x80, s17, s15, $0xb8;
	[tilespmem:$0x1E400] =	vst v63  }
0x6b: {  	_ =	swait.ge [sflag:s24], $0x2800  }
0x6c: {  	s10 =	smov.u32 s9;
	[sflag:s24] =	ssyncset.done $0x0  }
0x6d: {  	p2 =	seq.s32 s10, $0x0;
	s1 =	rddreg [dreg:$0x5];
	[sflag:s24] =	ssyncadd.s32 $0xFFFFD800  }
0x6e: {  	[spmem:s2] =	stream.indirect.scatter.add.f32 [tilespmem:s19], [sflag:$0xA], $0x80, s1, s15, $0xb8;
	[tilespmem:$0x1E400] =	vst v63  }
0x6f: {  	p0 =	por p2, p2;
	p2 =	seq.s32 s7, $0x1F80;
	_ =	swait.ge [sflag:s25], $0x2800  }
0x70: {  	s0 =	sadd.s32 @!p2 s7, s5;
	s7 =	smov.u32 s10;
	[sflag:s25] =	ssyncset.done $0x0  }
0x71: {  	s10 =	simm.s32 @!p2 $0x0;
	s1 =	sadd.s32 @!p2 $0x80, s0;
	[sflag:s25] =	ssyncadd.s32 $0xFFFFD800  }
0x72: {  	[tilespmem:s10], [sflag:$0x1] =	stream.linear.gather @!p2 [hbm4b:s1+s10], $0x100, $0x38;
	[tilespmem:$0x1E400] =	vst v63  }
0x73: {  	_ =	swait.ge [sflag:s26], $0x100  }
0x74: {  	[sflag:s26] =	ssyncset.done $0x0  }
0x75: {  	[sflag:s26] =	ssyncadd.s32 $0xFFFFFF00  }
0x76: {  	[tilespmem:s28], [sflag:$0x8] =	stream.indirect.gather [hbm4b:s8+s15], $0x80, s21, s15, $0xb8;
	[tilespmem:$0x1E400] =	vst v63  }
0x77: {  	_ =	swait.ge [sflag:s29], $0x2800  }
0x78: {  	[sflag:s29] =	ssyncset.done $0x0  }
0x79: {  	s14 =	rddreg [dreg:$0x6];
	[sflag:s29] =	ssyncadd.s32 $0xFFFFD800  }
0x7a: {  	[spmem:s2] =	stream.indirect.scatter.add.f32 [tilespmem:s23], [sflag:$0xB], $0x80, s14, s15, $0xb8;
	[tilespmem:$0x1E400] =	vst v63  }
0x7b: {  	_ =	swait.ge [sflag:s30], $0x2800  }
0x7c: {  	s0 =	sadd.s32 @!p2 $0xA0, s0;
	[sflag:s30] =	ssyncset.done $0x0  }
0x7d: {  	s1 =	simm.s32 @!p2 $0x100;
	s14 =	simm.s32 @!p2 $0x1;
	[sflag:s30] =	ssyncadd.s32 $0xFFFFD800  }
0x7e: {  	[tilespmem:s1], [sflag:$0x2] =	stream.linear.gather @!p2 [hbm4b:s0+s10], $0x100, $0x38;
	[tilespmem:$0x1E400] =	vst v63  }
0x7f: {  	s9 =	sadd.s32 $0x80, s9;
	_ =	swait.ge @!p2 [sflag:s14], $0x100  }
0x80: {  	p1 =	sne.s32 s9, $0x2000;
	s0 =	simm.s32 @!p2 $0x50;
	[sflag:s14] =	ssyncset.done @!p2 $0x0  }
.Ltmp0:
0x81: {  	s1 =	simm.s32 @!p2 $0x400;
	[sflag:s14] =	ssyncadd.s32 @!p2 $0xFFFFFF00;
	(pc) =	sbr.rel @p1 .LBB2_2-.Ltmp0, $4  }
0x82: {  	[tilespmem:s1], [sflag:$0x5] =	stream.indirect.gather @!p2 [hbm4b:s8+s0], $0x80, s10, s0, $0xb8;
	[tilespmem:$0x1E400] =	vst v63  }
0x83: {  	_ =	swait.ge [sflag:s31], $0x2800  }
0x84: {  	[sflag:s31] =	ssyncset.done $0x0  }
0x85: {  	s10 =	rddreg [dreg:$0x7];
	[sflag:s31] =	ssyncadd.s32 $0xFFFFD800  }
0x86: {  	[spmem:s2] =	stream.indirect.scatter.add.f32 [tilespmem:s28], [sflag:$0xC], $0x80, s10, s15, $0xb8;
	[tilespmem:$0x1E400] =	vst v63  }
0x87: {  	s0 =	simm.s32 @!p0 $0xB  }
0x88: {  	_ =	swait.ge @!p0 [sflag:s0], $0x2800  }
0x89: {  	s1 =	sadd.s32 s7, s5;
	[sflag:s0] =	ssyncset.done @!p0 $0x0  }
0x8a: {  	s10 =	sadd.s32 $0x40, s1;
	[sflag:s0] =	ssyncadd.s32 @!p0 $0xFFFFD800  }
0x8b: {  	[tilespmem:s17], [sflag:$0x3] =	stream.linear.gather [hbm4b:s10+s3], $0x100, $0x38;
	[tilespmem:$0x1E400] =	vst v63  }
0x8c: {  	_ =	swait.ge [sflag:s18], $0x100  }
0x8d: {  	[sflag:s18] =	ssyncset.done $0x0  }
0x8e: {  	[sflag:s18] =	ssyncadd.s32 $0xFFFFFF00  }
0x8f: {  	[tilespmem:s19], [sflag:$0x6] =	stream.indirect.gather [hbm4b:s8+s15], $0x80, s13, s15, $0xb8;
	[tilespmem:$0x1E400] =	vst v63  }
0x90: {  	_ =	swait.ge [sflag:s20], $0x2800  }
0x91: {  	[sflag:s20] =	ssyncset.done $0x0  }
0x92: {  	s0 =	simm.s32 @!p0 $0xC;
	s14 =	rddreg [dreg:$0x4];
	[sflag:s20] =	ssyncadd.s32 $0xFFFFD800  }
0x93: {  	[spmem:s2] =	stream.indirect.scatter.add.f32 [tilespmem:s16], [sflag:$0x9], $0x80, s14, s15, $0xb8;
	[tilespmem:$0x1E400] =	vst v63  }
0x94: {  	_ =	swait.ge @!p0 [sflag:s0], $0x2800  }
0x95: {  	[sflag:s0] =	ssyncset.done @!p0 $0x0  }
0x96: {  	s9 =	sadd.s32 $0x60, s1;
	[sflag:s0] =	ssyncadd.s32 @!p0 $0xFFFFD800  }
0x97: {  	[tilespmem:s21], [sflag:$0x4] =	stream.linear.gather [hbm4b:s9+s3], $0x100, $0x38;
	[tilespmem:$0x1E400] =	vst v63  }
0x98: {  	_ =	swait.ge [sflag:s22], $0x100  }
0x99: {  	[sflag:s22] =	ssyncset.done $0x0  }
0x9a: {  	[sflag:s22] =	ssyncadd.s32 $0xFFFFFF00  }
0x9b: {  	[tilespmem:s23], [sflag:$0x7] =	stream.indirect.gather [hbm4b:s8+s15], $0x80, s17, s15, $0xb8;
	[tilespmem:$0x1E400] =	vst v63  }
0x9c: {  	_ =	swait.ge [sflag:s24], $0x2800  }
0x9d: {  	[sflag:s24] =	ssyncset.done $0x0  }
0x9e: {  	s10 =	rddreg [dreg:$0x5];
	[sflag:s24] =	ssyncadd.s32 $0xFFFFD800  }
0x9f: {  	[spmem:s2] =	stream.indirect.scatter.add.f32 [tilespmem:s19], [sflag:$0xA], $0x80, s10, s15, $0xb8;
	[tilespmem:$0x1E400] =	vst v63  }
0xa0: {  	p0 =	seq.s32 s7, $0x1F80;
	_ =	swait.ge [sflag:s25], $0x2800  }
0xa1: {  	s0 =	sadd.s32 @!p0 s7, s5;
	[sflag:s25] =	ssyncset.done $0x0  }
0xa2: {  	s7 =	simm.s32 @!p0 $0x0;
	s1 =	sadd.s32 @!p0 $0x80, s0;
	[sflag:s25] =	ssyncadd.s32 $0xFFFFD800  }
0xa3: {  	[tilespmem:s7], [sflag:$0x1] =	stream.linear.gather @!p0 [hbm4b:s1+s7], $0x100, $0x38;
	[tilespmem:$0x1E400] =	vst v63  }
0xa4: {  	_ =	swait.ge [sflag:s26], $0x100  }
0xa5: {  	[sflag:s26] =	ssyncset.done $0x0  }
0xa6: {  	[sflag:s26] =	ssyncadd.s32 $0xFFFFFF00  }
0xa7: {  	[tilespmem:s28], [sflag:$0x8] =	stream.indirect.gather [hbm4b:s8+s15], $0x80, s21, s15, $0xb8;
	[tilespmem:$0x1E400] =	vst v63  }
0xa8: {  	_ =	swait.ge [sflag:s29], $0x2800  }
0xa9: {  	[sflag:s29] =	ssyncset.done $0x0  }
0xaa: {  	s14 =	rddreg [dreg:$0x6];
	[sflag:s29] =	ssyncadd.s32 $0xFFFFD800  }
0xab: {  	[spmem:s2] =	stream.indirect.scatter.add.f32 [tilespmem:s23], [sflag:$0xB], $0x80, s14, s15, $0xb8;
	[tilespmem:$0x1E400] =	vst v63  }
0xac: {  	_ =	swait.ge [sflag:s30], $0x2800  }
0xad: {  	[sflag:s30] =	ssyncset.done $0x0  }
0xae: {  	s0 =	sadd.s32 @!p0 $0xA0, s0;
	s1 =	simm.s32 @!p0 $0x100;
	[sflag:s30] =	ssyncadd.s32 $0xFFFFD800  }
0xaf: {  	[tilespmem:s1], [sflag:$0x2] =	stream.linear.gather @!p0 [hbm4b:s0+s7], $0x100, $0x38;
	[tilespmem:$0x1E400] =	vst v63  }
0xb0: {  	s0 =	simm.s32 @!p0 $0x1  }
0xb1: {  	_ =	swait.ge @!p0 [sflag:s0], $0x100  }
0xb2: {  	[sflag:s0] =	ssyncset.done @!p0 $0x0  }
0xb3: {  	s1 =	simm.s32 @!p0 $0x400;
	[sflag:s0] =	ssyncadd.s32 @!p0 $0xFFFFFF00;
	s0 =	simm.s32 @!p0 $0x50  }
0xb4: {  	[tilespmem:s1], [sflag:$0x5] =	stream.indirect.gather @!p0 [hbm4b:s8+s0], $0x80, s7, s0, $0xb8;
	[tilespmem:$0x1E400] =	vst v63  }
0xb5: {  	_ =	swait.ge [sflag:s31], $0x2800  }
0xb6: {  	[sflag:s31] =	ssyncset.done $0x0  }
0xb7: {  	s7 =	simm.s32 $0xB;
	s1 =	rddreg [dreg:$0x7];
	[sflag:s31] =	ssyncadd.s32 $0xFFFFD800  }
0xb8: {  	[spmem:s2] =	stream.indirect.scatter.add.f32 [tilespmem:s28], [sflag:$0xC], $0x80, s1, s15, $0xb8;
	[tilespmem:$0x1E400] =	vst v63  }
0xb9: {  	_ =	swait.ge [sflag:s7], $0x2800  }
0xba: {  	[sflag:s7] =	ssyncset.done $0x0  }
0xbb: {  	s9 =	simm.s32 $0xC;
	[sflag:s7] =	ssyncadd.s32 $0xFFFFD800  }
0xbc: {  	_ =	swait.ge [sflag:s9], $0x2800  }
0xbd: {  	[sflag:s9] =	ssyncset.done $0x0  }
0xbe: {  	[sflag:s9] =	ssyncadd.s32 $0xFFFFD800  }
0xbf: {  	[bflag:$0x0] =	sbarrier.arrive $0xFFFF  }
0xc0: {  	s10 =	rddreg [dreg:$0xa]  }
0xc1: {  	[hbm:s10], [sflag:s6] =	dma.local [spmem:s11], $0x2800  }
0xc2: {  	_ =	swait.ge [sflag:s12], $0x2800  }
0xc3: {  	s4 =	sadd.s32 $0x1, s4;
	s14 =	rddreg [dreg:$0xb]  }
0xc4: {  	p0 =	sne.s32 s4, s14  }
.Ltmp1:
0xc5: {  	_ = 	snop;
	(pc) =	sbr.rel @p0 .LBB2_1-.Ltmp1, $3  }
0xc6: {  	_ =	sdelay $0x1  }
0xc7: {  	[sflag:s12] =	ssyncset.done $0x0  }
0xc8: {  	[sflag:s12] =	ssyncadd.s32 $0xFFFFD800  }
0xc9: {  	_ =	sfence.sel $0x180000  }
0xca: {  	[bflag:$0x0] =	sbarrier.arrive $0xFFFF  }
0xcb: {  	_ =	strace $0x9000004A  }
0xcc: {  	s0 =	stileid.u32;
	[bflag:$0x2] =	sbarrier.arrive $0xFFFF  }
0xcd: {  	p0 =	sne.s32 s0, $0x0;
	s0 =	rddreg [dreg:$0x3]  }
0xce: {  	s0 =	sadd.s32 @!p0 $0x100000, s0  }
0xcf: {  	[sflag:s0] =	ssyncadd.tile.s32 @!p0 $0x1;
	_ =	shalt  }
.Lfunc_end2:
_tile_overlayer_lowered:
.L_overlay_start_2:
0xd0: {  	(tag) =	ssettag $0x2  }
0xd1: {  	s0 =	rddreg [dreg:$0x0];
	s2 =	stileid.u32  }
0xd2: {  	s1 =	rddreg [dreg:$0x1];
	p0 =	sne.s32 s2, $0x0  }
0xd3: {  	s3 =	rddreg [dreg:$0x2];
	[bflag:$0x3] =	sbarrier.arrive $0xFFFF;
	s2 =	simm.s32 @!p0 $0x1C0D  }
0xd4: {  	[timem:s3], [sflag:s2] =	dma.local @!p0 [hbm:s0], s1  }
0xd5: {  	s0 =	simm.s32 @!p0 $0xD  }
0xd6: {  	_ =	swait.ge @!p0 [sflag:s0], s1  }
0xd7: {  	s1 =	ssub.s32 @!p0 $0x0, s1;
	[sflag:s0] =	ssyncset.done @!p0 $0x0  }
0xd8: {  	[sflag:s0] =	ssyncadd.s32 @!p0 s1  }
0xd9: {  	[bflag:$0x3] =	sbarrier.arrive $0xFFFF  }
0xda: {  	_ =	shalt  }

// kernel: kernel.15.cloned.1.call-start
scs
__scs_entry_jumppad:
0x0: {  	(pc) =	sbr.rel $0x88, $3  }
0x1: {  	(tag) =	ssettag $0x0;
	lr =	simm.s32 $0x1  }
0x2: {  	[smem:$0x3F9B] =	sst lr;
	_ =	strace $0xD0000000  }
0x3: {  	_ = 	snop  }
0x4: {  	_ = 	snop  }
0x5: {  	_ = 	snop  }
0x6: {  	_ = 	snop  }
0x7: {  	_ = 	snop  }
__scs_overlays_trampoline_lowered:
0x8: {  	[smem:$0x3FAA] =	sst s0  }
0x9: {  	[smem:$0x3FAB] =	sst s1  }
0xa: {  	[smem:$0x3FAC] =	sst s2  }
0xb: {  	[smem:$0x3FAD] =	sst s3  }
0xc: {  	[smem:$0x3FAE] =	sst s4  }
0xd: {  	[smem:$0x3FAF] =	sst s5  }
0xe: {  	[smem:$0x3FB0] =	sst s6  }
0xf: {  	[smem:$0x3FB1] =	sst s7  }
0x10: {  	[smem:$0x3FB2] =	sst s8  }
0x11: {  	[smem:$0x3FB3] =	sst s9;
	s0 =	simm.s32 @!p0 $0x0  }
0x12: {  	s1 =	sld [smem:$0x3F99];
	s0 =	simm.s32 @p0 $0x1  }
0x13: {  	[smem:$0x3FB4] =	sst s0;
	s0 =	simm.s32 @!p1 $0x0  }
0x14: {  	s2 =	sld [smem:$0x3F98];
	s0 =	simm.s32 @p1 $0x1  }
0x15: {  	[smem:$0x3FB5] =	sst s0;
	s0 =	simm.s32 @!p2 $0x0  }
0x16: {  	s3 =	sld [smem:$0x3FDB];
	s0 =	simm.s32 @p2 $0x1  }
0x17: {  	s4 =	simm.s32 $0x1BF5;
	[smem:$0x3FB7] =	sst s0  }
0x18: {  	s0 =	sld [smem:$0x3F9A];
	_ =	swait.ge [sflag:s4], $0x0  }
0x19: {  	s7 =	sld [smem:$0x3F9B]  }
0x1a: {  	s8 =	sadd.s32 $0xFFFFE003, lr  }
0x1b: {  	s9 =	sadd.s32 $0xFFFFFEF7, lr;
	s5 =	simm.s32 $0xFFFFFFFF;
	p2 =	slt.u32 s8, $0xFFFFF086  }
0x1c: {  	p1 =	slt.u32 s9, $0xF7A;
	s5 =	simm.s32 @!p2 $0x0  }
0x1d: {  	s5 =	simm.s32 @p1 $0x1;
	p0 =	seq.s32 s7, s2  }
0x1e: {  	s7 =	smul.u32 @!p0 $0xF7A, s2;
	p2 =	seq.s32 @!p0 s5, $0x0  }
0x1f: {  	s9 =	smul.u32 $0xF7A, s1;
	s8 =	simm.s32 @!p0 $0x1BF5;
	p2 =	por !p2, p0  }
0x20: {  	[sflag:s8] =	ssyncset.s32 @!p0 $0xFFFFF086;
	s6 =	sadd.s32 @!p0 s3, s7;
	s7 =	simm.s32 @!p0 $0x108  }
0x21: {  	s3 =	sadd.s32 s3, s9;
	s6 =	sadd.s32 @!p0 $0x88, s6;
	s7 =	simm.s32 @p2 $0x1082  }
0x22: {  	[simem:s7], [sflag:s8] =	dma.local @!p0 [hbm:s6], $0xF7A  }
0x23: {  	s9 =	sor.u32 $0xD0000000, s2;
	s6 =	simm.s32 $0x108;
	_ =	swait.ge @!p0 [sflag:s8], $0x0  }
0x24: {  	s3 =	sadd.s32 $0x88, s3;
	s6 =	simm.s32 @!p1 $0x1082;
	[sflag:s4] =	ssyncset.s32 $0xFFFFF086  }
0x25: {  	[simem:s6], [sflag:s4] =	dma.local [hbm:s3], $0xF7A  }
0x26: {  	[smem:$0x3F9B] =	sst s1;
	(tag) =	ssettag s2;
	_ =	strace s9  }
0x27: {  	s1 =	sld [smem:$0x3FAB]  }
0x28: {  	s2 =	sld [smem:$0x3FAC]  }
0x29: {  	s4 =	sld [smem:$0x3FAE]  }
0x2a: {  	p0 =	seq.s32 s5, $0x0;
	s5 =	sld [smem:$0x3FAF]  }
0x2b: {  	s6 =	sld [smem:$0x3FB0]  }
0x2c: {  	s7 =	sld [smem:$0x3FB1]  }
0x2d: {  	s3 =	simm.s32 $0x108;
	s8 =	sld [smem:$0x3FB2]  }
0x2e: {  	s3 =	simm.s32 @!p0 $0x1082;
	s9 =	sld [smem:$0x3FB3]  }
0x2f: {  	lr =	sadd.s32 s0, s3;
	s0 =	sld [smem:$0x3FAA]  }
0x30: {  	s3 =	sld [smem:$0x3FAD]  }
0x31: {  	[smem:$0x3FB6] =	sst s10  }
0x32: {  	s10 =	sld [smem:$0x3FB4];
	_ =	sdelay $0x3  }
0x33: {  	p0 =	seq.s32 s10, $0x1;
	s10 =	sld [smem:$0x3FB6];
	_ =	sdelay $0x3  }
0x34: {  	[smem:$0x3FB6] =	sst s10  }
0x35: {  	s10 =	sld [smem:$0x3FB5];
	_ =	sdelay $0x3  }
0x36: {  	p1 =	seq.s32 s10, $0x1;
	s10 =	sld [smem:$0x3FB6];
	_ =	sdelay $0x3  }
0x37: {  	[smem:$0x3FB6] =	sst s10  }
0x38: {  	s10 =	sld [smem:$0x3FB7]  }
0x39: {  	_ = 	snop;
	(pc) =	sbr.ind lr, $3  }
0x3a: {  	_ = 	snop  }
0x3b: {  	_ = 	snop  }
0x3c: {  	p2 =	seq.s32 s10, $0x1;
	s10 =	sld [smem:$0x3FB6]  }
0x3d: {  	_ =	shalt  }
0x3e: {  	_ =	shalt  }
0x3f: {  	_ =	shalt  }
0x40: {  	_ =	shalt  }
0x41: {  	_ =	shalt  }
0x42: {  	_ =	shalt  }
0x43: {  	_ =	shalt  }
0x44: {  	_ =	shalt  }
0x45: {  	_ =	shalt  }
0x46: {  	_ =	shalt  }
0x47: {  	_ =	shalt  }
0x48: {  	_ =	shalt  }
0x49: {  	_ =	shalt  }
0x4a: {  	_ =	shalt  }
0x4b: {  	_ =	shalt  }
0x4c: {  	_ =	shalt  }
0x4d: {  	_ =	shalt  }
0x4e: {  	_ =	shalt  }
0x4f: {  	_ =	shalt  }
0x50: {  	_ =	shalt  }
0x51: {  	_ =	shalt  }
0x52: {  	_ =	shalt  }
0x53: {  	_ =	shalt  }
0x54: {  	_ =	shalt  }
0x55: {  	_ =	shalt  }
0x56: {  	_ =	shalt  }
0x57: {  	_ =	shalt  }
0x58: {  	_ =	shalt  }
0x59: {  	_ =	shalt  }
0x5a: {  	_ =	shalt  }
0x5b: {  	_ =	shalt  }
0x5c: {  	_ =	shalt  }
0x5d: {  	_ =	shalt  }
0x5e: {  	_ =	shalt  }
0x5f: {  	_ =	shalt  }
0x60: {  	_ =	shalt  }
0x61: {  	_ =	shalt  }
0x62: {  	_ =	shalt  }
0x63: {  	_ =	shalt  }
0x64: {  	_ =	shalt  }
0x65: {  	_ =	shalt  }
0x66: {  	_ =	shalt  }
0x67: {  	_ =	shalt  }
0x68: {  	_ =	shalt  }
0x69: {  	_ =	shalt  }
0x6a: {  	_ =	shalt  }
0x6b: {  	_ =	shalt  }
0x6c: {  	_ =	shalt  }
0x6d: {  	_ =	shalt  }
0x6e: {  	_ =	shalt  }
0x6f: {  	_ =	shalt  }
0x70: {  	_ =	shalt  }
0x71: {  	_ =	shalt  }
0x72: {  	_ =	shalt  }
0x73: {  	_ =	shalt  }
0x74: {  	_ =	shalt  }
0x75: {  	_ =	shalt  }
0x76: {  	_ =	shalt  }
0x77: {  	_ =	shalt  }
0x78: {  	_ =	shalt  }
0x79: {  	_ =	shalt  }
0x7a: {  	_ =	shalt  }
0x7b: {  	_ =	shalt  }
0x7c: {  	_ =	shalt  }
0x7d: {  	_ =	shalt  }
0x7e: {  	_ =	shalt  }
0x7f: {  	_ =	shalt  }
0x80: {  	_ =	shalt  }
0x81: {  	_ =	shalt  }
0x82: {  	_ =	shalt  }
0x83: {  	_ =	shalt  }
0x84: {  	_ =	shalt  }
0x85: {  	_ =	shalt  }
0x86: {  	_ =	shalt  }
0x87: {  	_ =	shalt  }
.Lfunc_end0:
.L_simem_size_0:
called_computation.2_lowered:
.L_overlay_start_0:
0x88: {  	s2 =	sld [smem:$0x3FD9]  }
0x89: {  	s3 =	sld [smem:$0x3FFE];
	_ =	sdelay $0x1  }
0x8a: {  	s1 =	srdreg.scid  }
0x8b: {  	s0 =	sand.u32 $0x1, s1  }
0x8c: {  	s16 =	sshll.u32 s0, $0xA;
	s2 =	sadd.s32 s3, s2  }
0x8d: {  	s2 =	sadd.s32 s2, s16  }
0x8e: {  	[smem:$0x3FC2] =	sst s2  }
0x8f: {  	_ = 	snop  }
0x90: {  	(tm) =	ssettm $0x1  }
0x91: {  	s17 =	sld [smem:$0x3FFB];
	_ =	sdelay $0x3  }
0x92: {  	_ =	strace s17  }
0x93: {  	s2 =	sld [smem:$0x3FFC];
	_ =	sdelay $0x3  }
0x94: {  	_ =	strace s2  }
0x95: {  	s2 =	sld [smem:$0x3FFD];
	_ =	sdelay $0x3  }
0x96: {  	_ =	strace s2  }
0x97: {  	_ =	strace $0x8FFFFFFF  }
0x98: {  	s18 =	sld [smem:$0x3FDB];
	_ =	sdelay $0x1  }
0x99: {  	s19 =	simm.s32 $_scs_section_size  }
0x9a: {  	s4 =	simm.s32 $_size__tile_overlayer_lowered;
	s5 =	simm.s32 $_tile_overlayer_lowered  }
0x9b: {  	s22 =	simm.s32 $0x1BFF;
	s21 =	sshll.u32 s5, $0x1;
	s2 =	sadd.s32 s19, s18  }
0x9c: {  	s6 =	simm.s32 $0x0;
	s20 =	sshll.u32 s4, $0x1;
	s4 =	sadd.s32 s21, s2  }
0x9d: {  	[timem:s6], [sflag:s22] =	dma.local [hbm:s4], s20  }
0x9e: {  	_ =	swait.ge [sflag:s22], s20  }
0x9f: {  	s3 =	ssub.s32 $0x0, s20;
	[sflag:s22] =	ssyncset.done $0x0  }
0xa0: {  	[sflag:s22] =	ssyncadd.s32 s3;
	_ =	sdelay $0x1  }
0xa1: {  	s23 =	simm.s32 $0x1B8B  }
0xa2: {  	_ =	swait.ge [sflag:s23], $0x1  }
0xa3: {  	[sflag:s23] =	ssyncset.done $0x0  }
0xa4: {  	s25 =	simm.s32 $0x1B8E;
	s24 =	sld [smem:$0x3FFE];
	[sflag:s23] =	ssyncadd.s32 $0xFFFFFFFF  }
0xa5: {  	s26 =	simm.s32 $execute0_lowered;
	[smem:$0x3FD2] =	sst s25  }
0xa6: {  	s4 =	sshll.u32 s26, $0x1;
	_ =	strace $0x8000004C;
	[dreg:$0x1] =	wrdreg $0xFFFFFFFF  }
0xa7: {  	s28 =	simm.s32 $_size_execute0_lowered;
	s2 =	sadd.s32 s2, s4;
	[dreg:$0x0] =	wrdreg $0x0  }
0xa8: {  	s4 =	sshll.u32 s28, $0x1;
	[dreg:$0x2] =	wrdreg s2  }
0xa9: {  	[dreg:$0x3] =	wrdreg s4  }
0xaa: {  	[dreg:$0x4] =	wrdreg $0xC0  }
0xab: {  	_ =	task [dreg:s6], $0x5FFFF  }
0xac: {  	[dreg:$0x1] =	wrdreg $0xFFFFFFFF  }
0xad: {  	[dreg:$0x0] =	wrdreg $0x60  }
0xae: {  	[dreg:$0x2] =	wrdreg s24  }
0xaf: {  	[dreg:$0x3] =	wrdreg $0xA4000  }
0xb0: {  	[dreg:$0x4] =	wrdreg $0x9  }
0xb1: {  	_ =	task.clear_ibuf [dreg:s6], $0x5FFFF;
	_ =	strace $0x9000004C  }
0xb2: {  	s29 =	simm.s32 $0x9;
	_ =	strace $0x8000004E  }
0xb3: {  	_ =	swait.ge [sflag:s29], $0x1  }
0xb4: {  	[sflag:s29] =	ssyncadd.s32 $0xFFFFFFFF  }
0xb5: {  	_ =	strace $0x9000004E  }
0xb6: {  	_ =	sfence  }
0xb7: {  	s30 =	sld [smem:$0x0];
	_ =	sdelay $0x2  }
0xb8: {  	s31 =	sshll.u32 s1, $0xD;
	s1 =	sshrl.u32 s1, $0x2  }
0xb9: {  	s3 =	sand.u32 $0x4000, s31;
	s1 =	sadd.s32 s1, s30  }
0xba: {  	s0 =	sor.u32 s3, s0;
	s1 =	sshll.u32 s1, $0x11  }
0xbb: {  	s0 =	sor.u32 s1, s0  }
0xbc: {  	s0 =	sadd.s32 $0x8F2B, s0  }
0xbd: {  	[sflag:s0] =	ssyncadd.remote.s32 $0x1  }
0xbe: {  	_ =	sfence.sel $0xFFFF  }
0xbf: {  	[dreg:$0x0] =	wrdreg $0xFFFFFFFF;
	(pc) =	sbr.abs _section_cstart, $3  }
0xc0: {  	[dreg:$0x1] =	wrdreg $0xFFFFFFFF  }
0xc1: {  	_ =	task.clear_ibuf [dreg:s6], $0x2FFFF;
	_ =	strace $0x9FFFFFFF  }
0xc2: {  	(tm) =	ssettm $0x7FFFFFFF  }
0xc3: {  	_ =	shalt  }
tec
execute0_lowered:
.L_overlay_start_1:
0x0: {  	(tag) =	ssettag $0x1  }
0x1: {  	s0 =	rddreg [dreg:$0x0]  }
0x2: {  	s2 =	rddreg [dreg:$0x1]  }
0x3: {  	s3 =	simm.s32 $0x0;
	s11 =	stileid.u32;
	s1 =	srdreg.scid  }
0x4: {  	s12 =	simm.s32 $0xD;
	s23 =	simm.s32 $0x80;
	s24 =	simm.s32 $0x180  }
0x5: {  	s25 =	simm.s32 $0x280;
	s26 =	simm.s32 $0x380;
	s28 =	simm.s32 $0x7C00  }
0x6: {  	s29 =	simm.s32 $0x7;
	s30 =	simm.s32 $0xA;
	s31 =	simm.s32 $0x8  }
0x7: {  	[smem:$0x7FF] =	sst s3;
	s5 =	smul.u32 $0x14000, s11;
	s1 =	sand.u32 $0x1, s1  }
0x8: {  	s4 =	sadd.s32 $0x2000, s0;
	s8 =	sadd.s32 $0xCA000, s0;
	s9 =	smul.u32 $0x50000, s11  }
0x9: {  	s16 =	sshll.u32 s11, $0x10;
	_ =	strace $0x8000004D;
	[dreg:$0x5] =	wrdreg s23  }
0xa: {  	s17 =	sshll.u32 s11, $0x6;
	s6 =	smul.u32 $0x140000, s1;
	[dreg:$0x6] =	wrdreg s24  }
0xb: {  	s13 =	ssub.s32 $0x2, s1;
	s1 =	sshll.u32 s1, $0xF;
	[dreg:$0x7] =	wrdreg s25  }
0xc: {  	s23 =	simm.s32 $0x5400;
	s24 =	simm.s32 $0x6;
	[dreg:$0x8] =	wrdreg s26  }
0xd: {  	s25 =	simm.s32 $0x9;
	s26 =	simm.s32 $0x4;
	s7 =	sshrl.u32 s5, $0x3  }
0xe: {  	s10 =	sshrl.u32 s13, $0x1;
	s15 =	sshrl.u32 s9, $0x2;
	s1 =	sor.u32 s1, s16  }
0xf: {  	s16 =	simm.s32 $0x400;
	s5 =	sadd.s32 s5, s6;
	s7 =	sadd.s32 s7, s0  }
0x10: {  	s14 =	ssub.s32 s13, s10;
	s9 =	sadd.s32 s15, s2;
	s6 =	sor.u32 $0x1C0D, s17  }
0x11: {  	s18 =	sshrl.u32 s1, $0x3;
	s19 =	sor.u32 $0x500, s1;
	s1 =	sor.u32 $0x400, s1  }
0x12: {  	s13 =	simm.s32 $0x100;
	s15 =	simm.s32 $0x50;
	s17 =	simm.s32 $0x200  }
0x13: {  	s5 =	sshrl.u32 s5, $0x3;
	s7 =	sadd.s32 $0x52000, s7;
	s10 =	sshrl.u32 s19, $0x3  }
0x14: {  	s1 =	sshrl.u32 s1, $0x3;
	s22 =	smax.u32 s14, $0x1;
	s11 =	sshrl.u32 s9, $0x3  }
0x15: {  	s19 =	simm.s32 $0x2C00;
	s0 =	sadd.s32 s5, s0;
	[dreg:$0x9] =	wrdreg s7  }
0x16: {  	s7 =	sadd.s32 s18, s8;
	s10 =	sadd.s32 s10, s8;
	[dreg:$0xc] =	wrdreg s22  }
0x17: {  	s21 =	sadd.s32 s1, s8;
	s18 =	simm.s32 $0x2;
	[dreg:$0x3] =	wrdreg s10  }
0x18: {  	s22 =	simm.s32 $0x3;
	s20 =	sadd.s32 $0x20, s7;
	[dreg:$0x4] =	wrdreg s21  }
0x19: {  	s5 =	simm.s32 $0x0;
	s0 =	sadd.s32 $0x7A000, s0;
	[dreg:$0xa] =	wrdreg s20  }
0x1a: {  	s21 =	simm.s32 $0x300;
	[dreg:$0xb] =	wrdreg s0;
	s20 =	simm.s32 $0x5  }
.LBB2_1:
0x1b: {  	s0 =	rddreg [dreg:$0x9]  }
0x1c: {  	[spmem:s11], [sflag:s6] =	dma.local [hbm:s0], $0x2800  }
0x1d: {  	_ =	swait.ge [sflag:s12], $0x2800  }
0x1e: {  	[sflag:s12] =	ssyncset.done $0x0  }
0x1f: {  	[sflag:s12] =	ssyncadd.s32 $0xFFFFD800  }
0x20: {  	[tilespmem:s3], [sflag:$0x1] =	stream.linear.gather [hbm4b:s7+s3], $0x100, $0x38;
	[tilespmem:$0x1E400] =	vst v63  }
0x21: {  	s14 =	simm.s32 $0x1;
	s10 =	rddreg [dreg:$0xa]  }
0x22: {  	[tilespmem:s13], [sflag:$0x2] =	stream.linear.gather [hbm4b:s10+s3], $0x100, $0x38;
	[tilespmem:$0x1E400] =	vst v63  }
0x23: {  	_ =	swait.ge [sflag:s14], $0x100  }
0x24: {  	p0 =	por $0x1, $0x1;
	[sflag:s14] =	ssyncset.done $0x0  }
0x25: {  	p0 =	por p0, p0;
	[sflag:s14] =	ssyncadd.s32 $0xFFFFFF00  }
0x26: {  	[tilespmem:s16], [sflag:$0x5] =	stream.indirect.gather [hbm4b:s4+s15], $0x80, s3, s15, $0xb8;
	[tilespmem:$0x1E400] =	vst v63  }
0x27: {  	s8 =	simm.s32 @!p0 $0xB;
	[bflag:$0x0] =	sbarrier.arrive $0xFFFF  }
0x28: {  	_ =	swait.ge @!p0 [sflag:s8], $0x2800  }
0x29: {  	s9 =	sadd.s32 $0x0, s7;
	[sflag:s8] =	ssyncset.done @!p0 $0x0  }
0x2a: {  	s0 =	sadd.s32 $0x40, s9;
	[sflag:s8] =	ssyncadd.s32 @!p0 $0xFFFFD800  }
0x2b: {  	[tilespmem:s17], [sflag:$0x3] =	stream.linear.gather [hbm4b:s0+s3], $0x100, $0x38;
	[tilespmem:$0x1E400] =	vst v63  }
0x2c: {  	_ =	swait.ge [sflag:s18], $0x100  }
0x2d: {  	[sflag:s18] =	ssyncset.done $0x0  }
0x2e: {  	[sflag:s18] =	ssyncadd.s32 $0xFFFFFF00  }
0x2f: {  	[tilespmem:s19], [sflag:$0x6] =	stream.indirect.gather [hbm4b:s4+s15], $0x80, s13, s15, $0xb8;
	[tilespmem:$0x1E400] =	vst v63  }
0x30: {  	_ =	swait.ge [sflag:s20], $0x2800  }
0x31: {  	[sflag:s20] =	ssyncset.done $0x0  }
0x32: {  	s10 =	simm.s32 @!p0 $0xC;
	s1 =	rddreg [dreg:$0x5];
	[sflag:s20] =	ssyncadd.s32 $0xFFFFD800  }
0x33: {  	[spmem:s2] =	stream.indirect.scatter.add.f32 [tilespmem:s16], [sflag:$0x9], $0x80, s1, s15, $0xb8;
	[tilespmem:$0x1E400] =	vst v63  }
0x34: {  	_ =	swait.ge @!p0 [sflag:s10], $0x2800  }
0x35: {  	[sflag:s10] =	ssyncset.done @!p0 $0x0  }
0x36: {  	s9 =	sadd.s32 $0x60, s9;
	[sflag:s10] =	ssyncadd.s32 @!p0 $0xFFFFD800  }
0x37: {  	[tilespmem:s21], [sflag:$0x4] =	stream.linear.gather [hbm4b:s9+s3], $0x100, $0x38;
	[tilespmem:$0x1E400] =	vst v63  }
0x38: {  	_ =	swait.ge [sflag:s22], $0x100  }
0x39: {  	[sflag:s22] =	ssyncset.done $0x0  }
0x3a: {  	[sflag:s22] =	ssyncadd.s32 $0xFFFFFF00  }
0x3b: {  	[tilespmem:s23], [sflag:$0x7] =	stream.indirect.gather [hbm4b:s4+s15], $0x80, s17, s15, $0xb8;
	[tilespmem:$0x1E400] =	vst v63  }
0x3c: {  	_ =	swait.ge [sflag:s24], $0x2800  }
0x3d: {  	[sflag:s24] =	ssyncset.done $0x0  }
0x3e: {  	s10 =	rddreg [dreg:$0x6];
	[sflag:s24] =	ssyncadd.s32 $0xFFFFD800  }
0x3f: {  	[spmem:s2] =	stream.indirect.scatter.add.f32 [tilespmem:s19], [sflag:$0xA], $0x80, s10, s15, $0xb8;
	[tilespmem:$0x1E400] =	vst v63  }
0x40: {  	_ =	swait.ge [sflag:s25], $0x2800  }
0x41: {  	p0 =	por $0x0, $0x0;
	s8 =	rddreg [dreg:$0x4];
	[sflag:s25] =	ssyncset.done $0x0  }
0x42: {  	s9 =	simm.s32 @!p0 $0x0;
	[sflag:s25] =	ssyncadd.s32 $0xFFFFD800;
	s8 =	sadd.s32 @!p0 $0x0, s8  }
0x43: {  	[tilespmem:s9], [sflag:$0x1] =	stream.linear.gather @!p0 [hbm4b:s8+s9], $0x100, $0x38;
	[tilespmem:$0x1E400] =	vst v63  }
0x44: {  	_ =	swait.ge [sflag:s26], $0x100  }
0x45: {  	[sflag:s26] =	ssyncset.done $0x0  }
0x46: {  	[sflag:s26] =	ssyncadd.s32 $0xFFFFFF00  }
0x47: {  	[tilespmem:s28], [sflag:$0x8] =	stream.indirect.gather [hbm4b:s4+s15], $0x80, s21, s15, $0xb8;
	[tilespmem:$0x1E400] =	vst v63  }
0x48: {  	_ =	swait.ge [sflag:s29], $0x2800  }
0x49: {  	[sflag:s29] =	ssyncset.done $0x0  }
0x4a: {  	s14 =	rddreg [dreg:$0x7];
	[sflag:s29] =	ssyncadd.s32 $0xFFFFD800  }
0x4b: {  	[spmem:s2] =	stream.indirect.scatter.add.f32 [tilespmem:s23], [sflag:$0xB], $0x80, s14, s15, $0xb8;
	[tilespmem:$0x1E400] =	vst v63  }
0x4c: {  	_ =	swait.ge [sflag:s30], $0x2800  }
0x4d: {  	s8 =	rddreg [dreg:$0x3];
	[sflag:s30] =	ssyncset.done $0x0  }
0x4e: {  	s10 =	simm.s32 @!p0 $0x100;
	[sflag:s30] =	ssyncadd.s32 $0xFFFFD800;
	s8 =	sadd.s32 @!p0 $0x0, s8  }
0x4f: {  	[tilespmem:s10], [sflag:$0x2] =	stream.linear.gather @!p0 [hbm4b:s8+s9], $0x100, $0x38;
	[tilespmem:$0x1E400] =	vst v63  }
0x50: {  	s8 =	simm.s32 @!p0 $0x1  }
0x51: {  	_ =	swait.ge @!p0 [sflag:s8], $0x100  }
0x52: {  	[sflag:s8] =	ssyncset.done @!p0 $0x0  }
0x53: {  	s10 =	simm.s32 @!p0 $0x400;
	[sflag:s8] =	ssyncadd.s32 @!p0 $0xFFFFFF00;
	s8 =	simm.s32 @!p0 $0x50  }
0x54: {  	[tilespmem:s10], [sflag:$0x5] =	stream.indirect.gather @!p0 [hbm4b:s4+s8], $0x80, s9, s8, $0xb8;
	[tilespmem:$0x1E400] =	vst v63  }
0x55: {  	p6 =	por $0x0, $0x0;
	_ =	swait.ge [sflag:s31], $0x2800  }
0x56: {  	s8 =	simm.s32 $0x80;
	s9 =	simm.s32 $0x100;
	[sflag:s31] =	ssyncset.done $0x0  }
0x57: {  	p0 =	por p6, p6;
	s10 =	rddreg [dreg:$0x8];
	[sflag:s31] =	ssyncadd.s32 $0xFFFFD800  }
.LBB2_2:
0x58: {  	[spmem:s2] =	stream.indirect.scatter.add.f32 [tilespmem:s28], [sflag:$0xC], $0x80, s10, s15, $0xb8;
	[tilespmem:$0x1E400] =	vst v63  }
0x59: {  	s14 =	simm.s32 @!p0 $0xB  }
0x5a: {  	_ =	swait.ge @!p0 [sflag:s14], $0x2800  }
0x5b: {  	s0 =	sadd.s32 s8, s7;
	[sflag:s14] =	ssyncset.done @!p0 $0x0  }
0x5c: {  	s1 =	sadd.s32 $0x40, s0;
	[sflag:s14] =	ssyncadd.s32 @!p0 $0xFFFFD800  }
0x5d: {  	[tilespmem:s17], [sflag:$0x3] =	stream.linear.gather [hbm4b:s1+s3], $0x100, $0x38;
	[tilespmem:$0x1E400] =	vst v63  }
0x5e: {  	_ =	swait.ge [sflag:s18], $0x100  }
0x5f: {  	[sflag:s18] =	ssyncset.done $0x0  }
0x60: {  	[sflag:s18] =	ssyncadd.s32 $0xFFFFFF00  }
0x61: {  	[tilespmem:s19], [sflag:$0x6] =	stream.indirect.gather [hbm4b:s4+s15], $0x80, s13, s15, $0xb8;
	[tilespmem:$0x1E400] =	vst v63  }
0x62: {  	_ =	swait.ge [sflag:s20], $0x2800  }
0x63: {  	[sflag:s20] =	ssyncset.done $0x0  }
0x64: {  	s1 =	simm.s32 @!p0 $0xC;
	s14 =	rddreg [dreg:$0x5];
	[sflag:s20] =	ssyncadd.s32 $0xFFFFD800  }
0x65: {  	[spmem:s2] =	stream.indirect.scatter.add.f32 [tilespmem:s16], [sflag:$0x9], $0x80, s14, s15, $0xb8;
	[tilespmem:$0x1E400] =	vst v63  }
0x66: {  	_ =	swait.ge @!p0 [sflag:s1], $0x2800  }
0x67: {  	[sflag:s1] =	ssyncset.done @!p0 $0x0  }
0x68: {  	s0 =	sadd.s32 $0x60, s0;
	[sflag:s1] =	ssyncadd.s32 @!p0 $0xFFFFD800  }
0x69: {  	[tilespmem:s21], [sflag:$0x4] =	stream.linear.gather [hbm4b:s0+s3], $0x100, $0x38;
	[tilespmem:$0x1E400] =	vst v63  }
0x6a: {  	_ =	swait.ge [sflag:s22], $0x100  }
0x6b: {  	[sflag:s22] =	ssyncset.done $0x0  }
0x6c: {  	[sflag:s22] =	ssyncadd.s32 $0xFFFFFF00  }
0x6d: {  	[tilespmem:s23], [sflag:$0x7] =	stream.indirect.gather [hbm4b:s4+s15], $0x80, s17, s15, $0xb8;
	[tilespmem:$0x1E400] =	vst v63  }
0x6e: {  	_ =	swait.ge [sflag:s24], $0x2800  }
0x6f: {  	s10 =	smov.u32 s9;
	[sflag:s24] =	ssyncset.done $0x0  }
0x70: {  	p2 =	seq.s32 s10, $0x0;
	s1 =	rddreg [dreg:$0x6];
	[sflag:s24] =	ssyncadd.s32 $0xFFFFD800  }
0x71: {  	[spmem:s2] =	stream.indirect.scatter.add.f32 [tilespmem:s19], [sflag:$0xA], $0x80, s1, s15, $0xb8;
	[tilespmem:$0x1E400] =	vst v63  }
0x72: {  	p0 =	por p2, p2;
	_ =	swait.ge [sflag:s25], $0x2800  }
0x73: {  	p2 =	seq.s32 s8, $0xF80;
	s0 =	rddreg [dreg:$0x4];
	[sflag:s25] =	ssyncset.done $0x0  }
0x74: {  	s1 =	simm.s32 @!p2 $0x0;
	[sflag:s25] =	ssyncadd.s32 $0xFFFFD800;
	s0 =	sadd.s32 @!p2 s8, s0  }
0x75: {  	[tilespmem:s1], [sflag:$0x1] =	stream.linear.gather @!p2 [hbm4b:s0+s1], $0x100, $0x38;
	[tilespmem:$0x1E400] =	vst v63  }
0x76: {  	_ =	swait.ge [sflag:s26], $0x100  }
0x77: {  	[sflag:s26] =	ssyncset.done $0x0  }
0x78: {  	[sflag:s26] =	ssyncadd.s32 $0xFFFFFF00  }
0x79: {  	[tilespmem:s28], [sflag:$0x8] =	stream.indirect.gather [hbm4b:s4+s15], $0x80, s21, s15, $0xb8;
	[tilespmem:$0x1E400] =	vst v63  }
0x7a: {  	_ =	swait.ge [sflag:s29], $0x2800  }
0x7b: {  	[sflag:s29] =	ssyncset.done $0x0  }
0x7c: {  	s14 =	rddreg [dreg:$0x7];
	[sflag:s29] =	ssyncadd.s32 $0xFFFFD800  }
0x7d: {  	[spmem:s2] =	stream.indirect.scatter.add.f32 [tilespmem:s23], [sflag:$0xB], $0x80, s14, s15, $0xb8;
	[tilespmem:$0x1E400] =	vst v63  }
0x7e: {  	s9 =	sadd.s32 $0x80, s9;
	_ =	swait.ge [sflag:s30], $0x2800  }
0x7f: {  	s14 =	simm.s32 @!p2 $0x1;
	s0 =	rddreg [dreg:$0x3];
	[sflag:s30] =	ssyncset.done $0x0  }
0x80: {  	[sflag:s30] =	ssyncadd.s32 $0xFFFFD800;
	s0 =	sadd.s32 @!p2 s8, s0;
	s8 =	simm.s32 @!p2 $0x100  }
0x81: {  	[tilespmem:s8], [sflag:$0x2] =	stream.linear.gather @!p2 [hbm4b:s0+s1], $0x100, $0x38;
	[tilespmem:$0x1E400] =	vst v63  }
0x82: {  	p1 =	sne.s32 s9, $0x1000;
	_ =	swait.ge @!p2 [sflag:s14], $0x100  }
0x83: {  	s8 =	smov.u32 s10;
	s0 =	simm.s32 @!p2 $0x50;
	[sflag:s14] =	ssyncset.done @!p2 $0x0  }
.Ltmp0:
0x84: {  	s10 =	simm.s32 @!p2 $0x400;
	[sflag:s14] =	ssyncadd.s32 @!p2 $0xFFFFFF00;
	(pc) =	sbr.rel @p1 .LBB2_2-.Ltmp0, $4  }
0x85: {  	[tilespmem:s10], [sflag:$0x5] =	stream.indirect.gather @!p2 [hbm4b:s4+s0], $0x80, s1, s0, $0xb8;
	[tilespmem:$0x1E400] =	vst v63  }
0x86: {  	_ =	swait.ge [sflag:s31], $0x2800  }
0x87: {  	[sflag:s31] =	ssyncset.done $0x0  }
0x88: {  	s10 =	rddreg [dreg:$0x8];
	[sflag:s31] =	ssyncadd.s32 $0xFFFFD800  }
0x89: {  	[spmem:s2] =	stream.indirect.scatter.add.f32 [tilespmem:s28], [sflag:$0xC], $0x80, s10, s15, $0xb8;
	[tilespmem:$0x1E400] =	vst v63  }
0x8a: {  	s0 =	simm.s32 @!p0 $0xB  }
0x8b: {  	_ =	swait.ge @!p0 [sflag:s0], $0x2800  }
0x8c: {  	s1 =	sadd.s32 s8, s7;
	[sflag:s0] =	ssyncset.done @!p0 $0x0  }
0x8d: {  	s10 =	sadd.s32 $0x40, s1;
	[sflag:s0] =	ssyncadd.s32 @!p0 $0xFFFFD800  }
0x8e: {  	[tilespmem:s17], [sflag:$0x3] =	stream.linear.gather [hbm4b:s10+s3], $0x100, $0x38;
	[tilespmem:$0x1E400] =	vst v63  }
0x8f: {  	_ =	swait.ge [sflag:s18], $0x100  }
0x90: {  	[sflag:s18] =	ssyncset.done $0x0  }
0x91: {  	[sflag:s18] =	ssyncadd.s32 $0xFFFFFF00  }
0x92: {  	[tilespmem:s19], [sflag:$0x6] =	stream.indirect.gather [hbm4b:s4+s15], $0x80, s13, s15, $0xb8;
	[tilespmem:$0x1E400] =	vst v63  }
0x93: {  	_ =	swait.ge [sflag:s20], $0x2800  }
0x94: {  	[sflag:s20] =	ssyncset.done $0x0  }
0x95: {  	s0 =	simm.s32 @!p0 $0xC;
	s14 =	rddreg [dreg:$0x5];
	[sflag:s20] =	ssyncadd.s32 $0xFFFFD800  }
0x96: {  	[spmem:s2] =	stream.indirect.scatter.add.f32 [tilespmem:s16], [sflag:$0x9], $0x80, s14, s15, $0xb8;
	[tilespmem:$0x1E400] =	vst v63  }
0x97: {  	_ =	swait.ge @!p0 [sflag:s0], $0x2800  }
0x98: {  	[sflag:s0] =	ssyncset.done @!p0 $0x0  }
0x99: {  	s9 =	sadd.s32 $0x60, s1;
	[sflag:s0] =	ssyncadd.s32 @!p0 $0xFFFFD800  }
0x9a: {  	[tilespmem:s21], [sflag:$0x4] =	stream.linear.gather [hbm4b:s9+s3], $0x100, $0x38;
	[tilespmem:$0x1E400] =	vst v63  }
0x9b: {  	_ =	swait.ge [sflag:s22], $0x100  }
0x9c: {  	[sflag:s22] =	ssyncset.done $0x0  }
0x9d: {  	[sflag:s22] =	ssyncadd.s32 $0xFFFFFF00  }
0x9e: {  	[tilespmem:s23], [sflag:$0x7] =	stream.indirect.gather [hbm4b:s4+s15], $0x80, s17, s15, $0xb8;
	[tilespmem:$0x1E400] =	vst v63  }
0x9f: {  	_ =	swait.ge [sflag:s24], $0x2800  }
0xa0: {  	[sflag:s24] =	ssyncset.done $0x0  }
0xa1: {  	s10 =	rddreg [dreg:$0x6];
	[sflag:s24] =	ssyncadd.s32 $0xFFFFD800  }
0xa2: {  	[spmem:s2] =	stream.indirect.scatter.add.f32 [tilespmem:s19], [sflag:$0xA], $0x80, s10, s15, $0xb8;
	[tilespmem:$0x1E400] =	vst v63  }
0xa3: {  	_ =	swait.ge [sflag:s25], $0x2800  }
0xa4: {  	p0 =	seq.s32 s8, $0xF80;
	s0 =	rddreg [dreg:$0x4];
	[sflag:s25] =	ssyncset.done $0x0  }
0xa5: {  	s1 =	simm.s32 @!p0 $0x0;
	[sflag:s25] =	ssyncadd.s32 $0xFFFFD800;
	s0 =	sadd.s32 @!p0 s8, s0  }
0xa6: {  	[tilespmem:s1], [sflag:$0x1] =	stream.linear.gather @!p0 [hbm4b:s0+s1], $0x100, $0x38;
	[tilespmem:$0x1E400] =	vst v63  }
0xa7: {  	_ =	swait.ge [sflag:s26], $0x100  }
0xa8: {  	[sflag:s26] =	ssyncset.done $0x0  }
0xa9: {  	[sflag:s26] =	ssyncadd.s32 $0xFFFFFF00  }
0xaa: {  	[tilespmem:s28], [sflag:$0x8] =	stream.indirect.gather [hbm4b:s4+s15], $0x80, s21, s15, $0xb8;
	[tilespmem:$0x1E400] =	vst v63  }
0xab: {  	_ =	swait.ge [sflag:s29], $0x2800  }
0xac: {  	[sflag:s29] =	ssyncset.done $0x0  }
0xad: {  	s14 =	rddreg [dreg:$0x7];
	[sflag:s29] =	ssyncadd.s32 $0xFFFFD800  }
0xae: {  	[spmem:s2] =	stream.indirect.scatter.add.f32 [tilespmem:s23], [sflag:$0xB], $0x80, s14, s15, $0xb8;
	[tilespmem:$0x1E400] =	vst v63  }
0xaf: {  	_ =	swait.ge [sflag:s30], $0x2800  }
0xb0: {  	s0 =	rddreg [dreg:$0x3];
	[sflag:s30] =	ssyncset.done $0x0  }
0xb1: {  	[sflag:s30] =	ssyncadd.s32 $0xFFFFD800;
	s0 =	sadd.s32 @!p0 s8, s0;
	s8 =	simm.s32 @!p0 $0x100  }
0xb2: {  	[tilespmem:s8], [sflag:$0x2] =	stream.linear.gather @!p0 [hbm4b:s0+s1], $0x100, $0x38;
	[tilespmem:$0x1E400] =	vst v63  }
0xb3: {  	s0 =	simm.s32 @!p0 $0x1  }
0xb4: {  	_ =	swait.ge @!p0 [sflag:s0], $0x100  }
0xb5: {  	[sflag:s0] =	ssyncset.done @!p0 $0x0  }
0xb6: {  	s8 =	simm.s32 @!p0 $0x400;
	[sflag:s0] =	ssyncadd.s32 @!p0 $0xFFFFFF00;
	s0 =	simm.s32 @!p0 $0x50  }
0xb7: {  	[tilespmem:s8], [sflag:$0x5] =	stream.indirect.gather @!p0 [hbm4b:s4+s0], $0x80, s1, s0, $0xb8;
	[tilespmem:$0x1E400] =	vst v63  }
0xb8: {  	_ =	swait.ge [sflag:s31], $0x2800  }
0xb9: {  	[sflag:s31] =	ssyncset.done $0x0  }
0xba: {  	s8 =	simm.s32 $0xB;
	s1 =	rddreg [dreg:$0x8];
	[sflag:s31] =	ssyncadd.s32 $0xFFFFD800  }
0xbb: {  	[spmem:s2] =	stream.indirect.scatter.add.f32 [tilespmem:s28], [sflag:$0xC], $0x80, s1, s15, $0xb8;
	[tilespmem:$0x1E400] =	vst v63  }
0xbc: {  	_ =	swait.ge [sflag:s8], $0x2800  }
0xbd: {  	[sflag:s8] =	ssyncset.done $0x0  }
0xbe: {  	s9 =	simm.s32 $0xC;
	[sflag:s8] =	ssyncadd.s32 $0xFFFFD800  }
0xbf: {  	_ =	swait.ge [sflag:s9], $0x2800  }
0xc0: {  	[sflag:s9] =	ssyncset.done $0x0  }
0xc1: {  	[sflag:s9] =	ssyncadd.s32 $0xFFFFD800  }
0xc2: {  	[bflag:$0x0] =	sbarrier.arrive $0xFFFF  }
0xc3: {  	s10 =	rddreg [dreg:$0xb]  }
0xc4: {  	[hbm:s10], [sflag:s6] =	dma.local [spmem:s11], $0x2800  }
0xc5: {  	_ =	swait.ge [sflag:s12], $0x2800  }
0xc6: {  	s5 =	sadd.s32 $0x1, s5;
	s14 =	rddreg [dreg:$0xc]  }
0xc7: {  	p0 =	sne.s32 s5, s14  }
.Ltmp1:
0xc8: {  	_ = 	snop;
	(pc) =	sbr.rel @p0 .LBB2_1-.Ltmp1, $3  }
0xc9: {  	_ =	sdelay $0x1  }
0xca: {  	[sflag:s12] =	ssyncset.done $0x0  }
0xcb: {  	[sflag:s12] =	ssyncadd.s32 $0xFFFFD800  }
0xcc: {  	_ =	sfence.sel $0x180000  }
0xcd: {  	[bflag:$0x0] =	sbarrier.arrive $0xFFFF  }
0xce: {  	_ =	strace $0x9000004D  }
0xcf: {  	s0 =	stileid.u32;
	[bflag:$0x2] =	sbarrier.arrive $0xFFFF  }
0xd0: {  	p0 =	sne.s32 s0, $0x0;
	s0 =	rddreg [dreg:$0x2]  }
0xd1: {  	s0 =	sadd.s32 @!p0 $0x100000, s0  }
0xd2: {  	[sflag:s0] =	ssyncadd.tile.s32 @!p0 $0x1;
	_ =	shalt  }
.Lfunc_end2:
_tile_overlayer_lowered:
.L_overlay_start_2:
0xd3: {  	(tag) =	ssettag $0x2  }
0xd4: {  	s0 =	rddreg [dreg:$0x0];
	s2 =	stileid.u32  }
0xd5: {  	s1 =	rddreg [dreg:$0x1];
	p0 =	sne.s32 s2, $0x0  }
0xd6: {  	s3 =	rddreg [dreg:$0x2];
	[bflag:$0x3] =	sbarrier.arrive $0xFFFF;
	s2 =	simm.s32 @!p0 $0x1C0D  }
0xd7: {  	[timem:s3], [sflag:s2] =	dma.local @!p0 [hbm:s0], s1  }
0xd8: {  	s0 =	simm.s32 @!p0 $0xD  }
0xd9: {  	_ =	swait.ge @!p0 [sflag:s0], s1  }
0xda: {  	s1 =	ssub.s32 @!p0 $0x0, s1;
	[sflag:s0] =	ssyncset.done @!p0 $0x0  }
0xdb: {  	[sflag:s0] =	ssyncadd.s32 @!p0 s1  }
0xdc: {  	[bflag:$0x3] =	sbarrier.arrive $0xFFFF  }
0xdd: {  	_ =	shalt  }

// kernel: kernel.9.cloned.1.call-start
scs
__scs_entry_jumppad:
0x0: {  	(pc) =	sbr.rel $0x88, $3  }
0x1: {  	(tag) =	ssettag $0x0;
	lr =	simm.s32 $0x1  }
0x2: {  	[smem:$0x3F9B] =	sst lr;
	_ =	strace $0xD0000000  }
0x3: {  	_ = 	snop  }
0x4: {  	_ = 	snop  }
0x5: {  	_ = 	snop  }
0x6: {  	_ = 	snop  }
0x7: {  	_ = 	snop  }
__scs_overlays_trampoline_lowered:
0x8: {  	[smem:$0x3FAA] =	sst s0  }
0x9: {  	[smem:$0x3FAB] =	sst s1  }
0xa: {  	[smem:$0x3FAC] =	sst s2  }
0xb: {  	[smem:$0x3FAD] =	sst s3  }
0xc: {  	[smem:$0x3FAE] =	sst s4  }
0xd: {  	[smem:$0x3FAF] =	sst s5  }
0xe: {  	[smem:$0x3FB0] =	sst s6  }
0xf: {  	[smem:$0x3FB1] =	sst s7  }
0x10: {  	[smem:$0x3FB2] =	sst s8  }
0x11: {  	[smem:$0x3FB3] =	sst s9;
	s0 =	simm.s32 @!p0 $0x0  }
0x12: {  	s1 =	sld [smem:$0x3F99];
	s0 =	simm.s32 @p0 $0x1  }
0x13: {  	[smem:$0x3FB4] =	sst s0;
	s0 =	simm.s32 @!p1 $0x0  }
0x14: {  	s2 =	sld [smem:$0x3F98];
	s0 =	simm.s32 @p1 $0x1  }
0x15: {  	[smem:$0x3FB5] =	sst s0;
	s0 =	simm.s32 @!p2 $0x0  }
0x16: {  	s3 =	sld [smem:$0x3FDB];
	s0 =	simm.s32 @p2 $0x1  }
0x17: {  	s4 =	simm.s32 $0x1BF5;
	[smem:$0x3FB7] =	sst s0  }
0x18: {  	s0 =	sld [smem:$0x3F9A];
	_ =	swait.ge [sflag:s4], $0x0  }
0x19: {  	s7 =	sld [smem:$0x3F9B]  }
0x1a: {  	s8 =	sadd.s32 $0xFFFFE003, lr  }
0x1b: {  	s9 =	sadd.s32 $0xFFFFFEF7, lr;
	s5 =	simm.s32 $0xFFFFFFFF;
	p2 =	slt.u32 s8, $0xFFFFF086  }
0x1c: {  	p1 =	slt.u32 s9, $0xF7A;
	s5 =	simm.s32 @!p2 $0x0  }
0x1d: {  	s5 =	simm.s32 @p1 $0x1;
	p0 =	seq.s32 s7, s2  }
0x1e: {  	s7 =	smul.u32 @!p0 $0xF7A, s2;
	p2 =	seq.s32 @!p0 s5, $0x0  }
0x1f: {  	s9 =	smul.u32 $0xF7A, s1;
	s8 =	simm.s32 @!p0 $0x1BF5;
	p2 =	por !p2, p0  }
0x20: {  	[sflag:s8] =	ssyncset.s32 @!p0 $0xFFFFF086;
	s6 =	sadd.s32 @!p0 s3, s7;
	s7 =	simm.s32 @!p0 $0x108  }
0x21: {  	s3 =	sadd.s32 s3, s9;
	s6 =	sadd.s32 @!p0 $0x88, s6;
	s7 =	simm.s32 @p2 $0x1082  }
0x22: {  	[simem:s7], [sflag:s8] =	dma.local @!p0 [hbm:s6], $0xF7A  }
0x23: {  	s9 =	sor.u32 $0xD0000000, s2;
	s6 =	simm.s32 $0x108;
	_ =	swait.ge @!p0 [sflag:s8], $0x0  }
0x24: {  	s3 =	sadd.s32 $0x88, s3;
	s6 =	simm.s32 @!p1 $0x1082;
	[sflag:s4] =	ssyncset.s32 $0xFFFFF086  }
0x25: {  	[simem:s6], [sflag:s4] =	dma.local [hbm:s3], $0xF7A  }
0x26: {  	[smem:$0x3F9B] =	sst s1;
	(tag) =	ssettag s2;
	_ =	strace s9  }
0x27: {  	s1 =	sld [smem:$0x3FAB]  }
0x28: {  	s2 =	sld [smem:$0x3FAC]  }
0x29: {  	s4 =	sld [smem:$0x3FAE]  }
0x2a: {  	p0 =	seq.s32 s5, $0x0;
	s5 =	sld [smem:$0x3FAF]  }
0x2b: {  	s6 =	sld [smem:$0x3FB0]  }
0x2c: {  	s7 =	sld [smem:$0x3FB1]  }
0x2d: {  	s3 =	simm.s32 $0x108;
	s8 =	sld [smem:$0x3FB2]  }
0x2e: {  	s3 =	simm.s32 @!p0 $0x1082;
	s9 =	sld [smem:$0x3FB3]  }
0x2f: {  	lr =	sadd.s32 s0, s3;
	s0 =	sld [smem:$0x3FAA]  }
0x30: {  	s3 =	sld [smem:$0x3FAD]  }
0x31: {  	[smem:$0x3FB6] =	sst s10  }
0x32: {  	s10 =	sld [smem:$0x3FB4];
	_ =	sdelay $0x3  }
0x33: {  	p0 =	seq.s32 s10, $0x1;
	s10 =	sld [smem:$0x3FB6];
	_ =	sdelay $0x3  }
0x34: {  	[smem:$0x3FB6] =	sst s10  }
0x35: {  	s10 =	sld [smem:$0x3FB5];
	_ =	sdelay $0x3  }
0x36: {  	p1 =	seq.s32 s10, $0x1;
	s10 =	sld [smem:$0x3FB6];
	_ =	sdelay $0x3  }
0x37: {  	[smem:$0x3FB6] =	sst s10  }
0x38: {  	s10 =	sld [smem:$0x3FB7]  }
0x39: {  	_ = 	snop;
	(pc) =	sbr.ind lr, $3  }
0x3a: {  	_ = 	snop  }
0x3b: {  	_ = 	snop  }
0x3c: {  	p2 =	seq.s32 s10, $0x1;
	s10 =	sld [smem:$0x3FB6]  }
0x3d: {  	_ =	shalt  }
0x3e: {  	_ =	shalt  }
0x3f: {  	_ =	shalt  }
0x40: {  	_ =	shalt  }
0x41: {  	_ =	shalt  }
0x42: {  	_ =	shalt  }
0x43: {  	_ =	shalt  }
0x44: {  	_ =	shalt  }
0x45: {  	_ =	shalt  }
0x46: {  	_ =	shalt  }
0x47: {  	_ =	shalt  }
0x48: {  	_ =	shalt  }
0x49: {  	_ =	shalt  }
0x4a: {  	_ =	shalt  }
0x4b: {  	_ =	shalt  }
0x4c: {  	_ =	shalt  }
0x4d: {  	_ =	shalt  }
0x4e: {  	_ =	shalt  }
0x4f: {  	_ =	shalt  }
0x50: {  	_ =	shalt  }
0x51: {  	_ =	shalt  }
0x52: {  	_ =	shalt  }
0x53: {  	_ =	shalt  }
0x54: {  	_ =	shalt  }
0x55: {  	_ =	shalt  }
0x56: {  	_ =	shalt  }
0x57: {  	_ =	shalt  }
0x58: {  	_ =	shalt  }
0x59: {  	_ =	shalt  }
0x5a: {  	_ =	shalt  }
0x5b: {  	_ =	shalt  }
0x5c: {  	_ =	shalt  }
0x5d: {  	_ =	shalt  }
0x5e: {  	_ =	shalt  }
0x5f: {  	_ =	shalt  }
0x60: {  	_ =	shalt  }
0x61: {  	_ =	shalt  }
0x62: {  	_ =	shalt  }
0x63: {  	_ =	shalt  }
0x64: {  	_ =	shalt  }
0x65: {  	_ =	shalt  }
0x66: {  	_ =	shalt  }
0x67: {  	_ =	shalt  }
0x68: {  	_ =	shalt  }
0x69: {  	_ =	shalt  }
0x6a: {  	_ =	shalt  }
0x6b: {  	_ =	shalt  }
0x6c: {  	_ =	shalt  }
0x6d: {  	_ =	shalt  }
0x6e: {  	_ =	shalt  }
0x6f: {  	_ =	shalt  }
0x70: {  	_ =	shalt  }
0x71: {  	_ =	shalt  }
0x72: {  	_ =	shalt  }
0x73: {  	_ =	shalt  }
0x74: {  	_ =	shalt  }
0x75: {  	_ =	shalt  }
0x76: {  	_ =	shalt  }
0x77: {  	_ =	shalt  }
0x78: {  	_ =	shalt  }
0x79: {  	_ =	shalt  }
0x7a: {  	_ =	shalt  }
0x7b: {  	_ =	shalt  }
0x7c: {  	_ =	shalt  }
0x7d: {  	_ =	shalt  }
0x7e: {  	_ =	shalt  }
0x7f: {  	_ =	shalt  }
0x80: {  	_ =	shalt  }
0x81: {  	_ =	shalt  }
0x82: {  	_ =	shalt  }
0x83: {  	_ =	shalt  }
0x84: {  	_ =	shalt  }
0x85: {  	_ =	shalt  }
0x86: {  	_ =	shalt  }
0x87: {  	_ =	shalt  }
.Lfunc_end0:
.L_simem_size_0:
called_computation_lowered:
.L_overlay_start_0:
0x88: {  	s2 =	sld [smem:$0x3FD9]  }
0x89: {  	s3 =	sld [smem:$0x3FFE];
	_ =	sdelay $0x1  }
0x8a: {  	s1 =	srdreg.scid  }
0x8b: {  	s0 =	sand.u32 $0x1, s1  }
0x8c: {  	s16 =	sshll.u32 s0, $0xA;
	s2 =	sadd.s32 s3, s2  }
0x8d: {  	s2 =	sadd.s32 s2, s16  }
0x8e: {  	[smem:$0x3FC2] =	sst s2  }
0x8f: {  	_ = 	snop  }
0x90: {  	(tm) =	ssettm $0x1  }
0x91: {  	s17 =	sld [smem:$0x3FFB];
	_ =	sdelay $0x3  }
0x92: {  	_ =	strace s17  }
0x93: {  	s2 =	sld [smem:$0x3FFC];
	_ =	sdelay $0x3  }
0x94: {  	_ =	strace s2  }
0x95: {  	s2 =	sld [smem:$0x3FFD];
	_ =	sdelay $0x3  }
0x96: {  	_ =	strace s2  }
0x97: {  	_ =	strace $0x8FFFFFFF  }
0x98: {  	s18 =	sld [smem:$0x3FDB];
	_ =	sdelay $0x1  }
0x99: {  	s19 =	simm.s32 $_scs_section_size  }
0x9a: {  	s4 =	simm.s32 $_size__tile_overlayer_lowered;
	s5 =	simm.s32 $_tile_overlayer_lowered  }
0x9b: {  	s22 =	simm.s32 $0x1BFF;
	s21 =	sshll.u32 s5, $0x1;
	s2 =	sadd.s32 s19, s18  }
0x9c: {  	s6 =	simm.s32 $0x0;
	s20 =	sshll.u32 s4, $0x1;
	s4 =	sadd.s32 s21, s2  }
0x9d: {  	[timem:s6], [sflag:s22] =	dma.local [hbm:s4], s20  }
0x9e: {  	_ =	swait.ge [sflag:s22], s20  }
0x9f: {  	s3 =	ssub.s32 $0x0, s20;
	[sflag:s22] =	ssyncset.done $0x0  }
0xa0: {  	[sflag:s22] =	ssyncadd.s32 s3;
	_ =	sdelay $0x1  }
0xa1: {  	s23 =	simm.s32 $0x1B8B  }
0xa2: {  	_ =	swait.ge [sflag:s23], $0x1  }
0xa3: {  	[sflag:s23] =	ssyncset.done $0x0  }
0xa4: {  	s25 =	simm.s32 $0x1B8E;
	s24 =	sld [smem:$0x3FFE];
	[sflag:s23] =	ssyncadd.s32 $0xFFFFFFFF  }
0xa5: {  	s26 =	simm.s32 $execute0_lowered;
	[smem:$0x3FD2] =	sst s25  }
0xa6: {  	s4 =	sshll.u32 s26, $0x1;
	_ =	strace $0x80000046;
	[dreg:$0x1] =	wrdreg $0xFFFFFFFF  }
0xa7: {  	s28 =	simm.s32 $_size_execute0_lowered;
	s2 =	sadd.s32 s2, s4;
	[dreg:$0x0] =	wrdreg $0x0  }
0xa8: {  	s4 =	sshll.u32 s28, $0x1;
	[dreg:$0x2] =	wrdreg s2  }
0xa9: {  	[dreg:$0x3] =	wrdreg s4  }
0xaa: {  	[dreg:$0x4] =	wrdreg $0xC0  }
0xab: {  	_ =	task [dreg:s6], $0x5FFFF  }
0xac: {  	[dreg:$0x1] =	wrdreg $0xFFFFFFFF  }
0xad: {  	[dreg:$0x0] =	wrdreg $0x60  }
0xae: {  	[dreg:$0x2] =	wrdreg s24  }
0xaf: {  	[dreg:$0x3] =	wrdreg $0x40800  }
0xb0: {  	[dreg:$0x4] =	wrdreg $0x9  }
0xb1: {  	_ =	task.clear_ibuf [dreg:s6], $0x5FFFF;
	_ =	strace $0x90000046  }
0xb2: {  	s29 =	simm.s32 $0x9;
	_ =	strace $0x80000048  }
0xb3: {  	_ =	swait.ge [sflag:s29], $0x1  }
0xb4: {  	[sflag:s29] =	ssyncadd.s32 $0xFFFFFFFF  }
0xb5: {  	_ =	strace $0x90000048  }
0xb6: {  	_ =	sfence  }
0xb7: {  	s30 =	sld [smem:$0x0];
	_ =	sdelay $0x2  }
0xb8: {  	s31 =	sshll.u32 s1, $0xD;
	s1 =	sshrl.u32 s1, $0x2  }
0xb9: {  	s3 =	sand.u32 $0x4000, s31;
	s1 =	sadd.s32 s1, s30  }
0xba: {  	s0 =	sor.u32 s3, s0;
	s1 =	sshll.u32 s1, $0x11  }
0xbb: {  	s0 =	sor.u32 s1, s0  }
0xbc: {  	s0 =	sadd.s32 $0x8F2B, s0  }
0xbd: {  	[sflag:s0] =	ssyncadd.remote.s32 $0x1  }
0xbe: {  	_ =	sfence.sel $0xFFFF  }
0xbf: {  	[dreg:$0x0] =	wrdreg $0xFFFFFFFF;
	(pc) =	sbr.abs _section_cstart, $3  }
0xc0: {  	[dreg:$0x1] =	wrdreg $0xFFFFFFFF  }
0xc1: {  	_ =	task.clear_ibuf [dreg:s6], $0x2FFFF;
	_ =	strace $0x9FFFFFFF  }
0xc2: {  	(tm) =	ssettm $0x7FFFFFFF  }
0xc3: {  	_ =	shalt  }
tec
execute0_lowered:
.L_overlay_start_1:
0x0: {  	(tag) =	ssettag $0x1  }
0x1: {  	s5 =	rddreg [dreg:$0x0]  }
0x2: {  	s1 =	rddreg [dreg:$0x1]  }
0x3: {  	s0 =	rddreg [dreg:$0x2];
	s3 =	simm.s32 $0x0  }
0x4: {  	s4 =	srdreg.scid;
	s2 =	stileid.u32;
	s14 =	simm.s32 $0x1  }
0x5: {  	s15 =	simm.s32 $0x20;
	s16 =	simm.s32 $0x10;
	s17 =	simm.s32 $0x0  }
0x6: {  	[smem:$0x7FF] =	sst s3;
	s6 =	sand.u32 $0x1, s4;
	s7 =	smul.u32 $0x500, s2  }
0x7: {  	s8 =	smul.u32 $0x280, s2;
	s29 =	sshll.u32 s2, $0xC;
	s30 =	sshll.u32 s2, $0x6  }
0x8: {  	_ =	strace $0x80000047;
	s4 =	sshll.u32 s6, $0xB;
	s9 =	sshll.u32 s6, $0x7  }
0x9: {  	s6 =	ssub.s32 $0x2, s6;
	s10 =	sadd.s32 s4, s5;
	s4 =	sadd.s32 $0x12600, s5  }
0xa: {  	s7 =	sor.u32 s9, s7;
	s26 =	sshrl.u32 s8, $0x3;
	s28 =	sshrl.u32 s6, $0x1  }
0xb: {  	s13 =	sadd.s32 s8, s1;
	s7 =	sshrl.u32 s7, $0x3;
	s9 =	sadd.s32 s26, s5  }
0xc: {  	s12 =	ssub.s32 s6, s28;
	s31 =	sadd.s32 s29, s10;
	s6 =	sor.u32 $0x1C02, s30  }
0xd: {  	s10 =	sshrl.u32 s13, $0x3;
	s13 =	simm.s32 $0x50;
	s11 =	sadd.s32 s7, s5  }
0xe: {  	s5 =	sadd.s32 $0x12000, s9;
	s7 =	sadd.s32 $0x2000, s31;
	s9 =	smax.u32 s12, $0x1  }
0xf: {  	s12 =	simm.s32 $0x4000;
	s8 =	sadd.s32 $0x12800, s11;
	s11 =	simm.s32 $0x2  }
.LBB2_1:
0x10: {  	[spmem:s10], [sflag:s6] =	dma.local [hbm:s5], $0x50  }
0x11: {  	_ =	swait.ge [sflag:s11], $0x50  }
0x12: {  	[sflag:s11] =	ssyncset.done $0x0  }
0x13: {  	[sflag:s11] =	ssyncadd.s32 $0xFFFFFFB0  }
0x14: {  	[tilespmem:s3], [sflag:$0x2] =	stream.linear.gather [hbm4b:s7+s3], $0x4000, $0x38;
	[tilespmem:$0x4300] =	vst v63  }
0x15: {  	_ =	swait.ge [sflag:s11], $0x4000  }
0x16: {  	[sflag:s11] =	ssyncset.done $0x0  }
0x17: {  	[sflag:s11] =	ssyncadd.s32 $0xFFFFC000  }
0x18: {  	[tilespmem:s12], [sflag:$0x2] =	stream.linear.gather [hbm4b:s4+s3], $0x80, $0x38;
	[tilespmem:$0x4300] =	vst v63  }
0x19: {  	_ =	swait.ge [sflag:s11], $0x80  }
0x1a: {  	[sflag:s11] =	ssyncset.done $0x0  }
0x1b: {  	[sflag:s11] =	ssyncadd.s32 $0xFFFFFF80  }
0x1c: {  	s18 =	simm.s32 $0x0;
	[bflag:$0x0] =	sbarrier.arrive $0xFFFF  }
.LBB2_2:
0x1d: {  	p0 =	sne.s32 s18, $0xFE00  }
.Ltmp0:
0x1e: {  	_ = 	snop;
	(pc) =	sbr.rel @p0 .LBB2_2-.Ltmp0, $3  }
0x1f: {  	_ =	sdelay $0x1  }
0x20: {  	s19 =	sshra.s32 s18, $0x2;
	s18 =	sadd.s32 $0x200, s18  }
0x21: {  	[spmem:s1] =	stream.indirect.scatter.add.f32 [tilespmem:s12], [sflag:$0x1], $0x1, s19, s13, $0xb8;
	[tilespmem:$0x4300] =	vst v63  }
0x22: {  	_ =	swait.ge [sflag:s14], $0x50  }
0x23: {  	s18 =	simm.s32 $0x7F;
	[sflag:s14] =	ssyncset.done $0x0  }
.LBB2_4:
0x24: {  	p0 =	sne.s32 s18, $0x1;
	s18 =	sadd.s32 $0xFFFFFFFF, s18;
	[sflag:s14] =	ssyncadd.s32 $0xFFFFFFB0  }
.Ltmp1:
0x25: {  	(pc) =	sbr.rel @p0 .LBB2_4-.Ltmp1, $3  }
0x26: {  	_ =	sdelay $0x1  }
0x27: {  	_ =	swait.ge [sflag:s14], $0x50  }
0x28: {  	[sflag:s14] =	ssyncset.done $0x0  }
0x29: {  	s17 =	sadd.s32 $0x1, s17  }
0x2a: {  	[sflag:s14] =	ssyncadd.s32 $0xFFFFFFB0;
	p0 =	sne.s32 s17, s9  }
.Ltmp2:
0x2b: {  	[bflag:$0x0] =	sbarrier.arrive $0xFFFF;
	(pc) =	sbr.rel @p0 .LBB2_1-.Ltmp2, $4  }
0x2c: {  	[hbm:s8@s15], [sflag:s6] =	dma.strided [spmem:s10@s16], $0x50, s14, $0x10   }
0x2d: {  	_ =	swait.ge [sflag:s11], $0x50  }
0x2e: {  	[sflag:s11] =	ssyncset.done $0x0  }
0x2f: {  	[sflag:s11] =	ssyncadd.s32 $0xFFFFFFB0  }
0x30: {  	_ =	sfence.sel $0x180000  }
0x31: {  	[bflag:$0x0] =	sbarrier.arrive $0xFFFF  }
0x32: {  	p0 =	sne.s32 s2, $0x0;
	_ =	strace $0x90000047  }
0x33: {  	s0 =	sadd.s32 @!p0 $0x100000, s0;
	[bflag:$0x2] =	sbarrier.arrive $0xFFFF  }
0x34: {  	[sflag:s0] =	ssyncadd.tile.s32 @!p0 $0x1;
	_ =	shalt  }
.Lfunc_end2:
_tile_overlayer_lowered:
.L_overlay_start_2:
0x35: {  	(tag) =	ssettag $0x2  }
0x36: {  	s0 =	rddreg [dreg:$0x0];
	s2 =	stileid.u32  }
0x37: {  	s1 =	rddreg [dreg:$0x1];
	p0 =	sne.s32 s2, $0x0  }
0x38: {  	s3 =	rddreg [dreg:$0x2];
	[bflag:$0x3] =	sbarrier.arrive $0xFFFF;
	s2 =	simm.s32 @!p0 $0x1C02  }
0x39: {  	[timem:s3], [sflag:s2] =	dma.local @!p0 [hbm:s0], s1  }
0x3a: {  	s0 =	simm.s32 @!p0 $0x2  }
0x3b: {  	_ =	swait.ge @!p0 [sflag:s0], s1  }
0x3c: {  	s1 =	ssub.s32 @!p0 $0x0, s1;
	[sflag:s0] =	ssyncset.done @!p0 $0x0  }
0x3d: {  	[sflag:s0] =	ssyncadd.s32 @!p0 s1  }
0x3e: {  	[bflag:$0x3] =	sbarrier.arrive $0xFFFF  }
0x3f: {  	_ =	shalt  }

</sc_bundles>
